<compile_context>
chip_gen: v7x
topology: tpu7x:2x2x1
jax: 0.10.2.dev20260603
libtpu: 0.0.44.dev20260713+nightly
codegen_flags: <defaults>
</compile_context>

<pallas_src>
import functools

import jax
import jax.numpy as jnp
from jax import lax
from jax.experimental import pallas as pl
from jax.experimental.pallas import tpu as pltpu
from jax.experimental.pallas import tpu_sc as plsc

NC = 2
NS = 16
NW = NC * NS

SL = 128
KW = 2
C = KW * SL


def _make_kernel(n_rows, word_dim, pos_dim, out_dim):
    per_w = n_rows // NW
    n_chunks = per_w // C
    n2 = n_chunks // 2
    assert n_chunks % 2 == 0 and n2 >= 2
    mesh = plsc.VectorSubcoreMesh(core_axis_name="c", subcore_axis_name="s",
                                  num_cores=NC, num_subcores=NS)

    idx_t = pltpu.VMEM((3 * KW, SL), jnp.int32)
    wbuf_t = pltpu.VMEM((C, 128), jnp.float32)
    pbuf_t = pltpu.VMEM((C, pos_dim), jnp.float32)

    @functools.partial(
        pl.kernel,
        out_type=jax.ShapeDtypeStruct((n_rows, out_dim), jnp.float32),
        mesh=mesh,
        compiler_params=pltpu.CompilerParams(use_tc_tiling_on_sc=False),
        scratch_types=[
            idx_t, idx_t, wbuf_t, wbuf_t, pbuf_t, pbuf_t, pbuf_t, pbuf_t,
            pltpu.SemaphoreType.DMA, pltpu.SemaphoreType.DMA,
            pltpu.SemaphoreType.DMA, pltpu.SemaphoreType.DMA,
        ],
    )
    def k(idxall, wtab, p1tab, p2tab, out,
          idxA, idxB, wA, wB, p1A, p1B, p2A, p2B, gsA, gsB, wsA, wsB):
        wid = lax.axis_index("s") * NC + lax.axis_index("c")

        def gather_descs(idxv, wb, p1b, p2b, gsem):
            ds = []
            for t in range(KW):
                ds.append(pltpu.make_async_copy(
                    wtab.at[idxv.at[t]], wb.at[pl.ds(t * SL, SL)], gsem))
                ds.append(pltpu.make_async_copy(
                    p1tab.at[idxv.at[KW + t]],
                    p1b.at[pl.ds(t * SL, SL)], gsem))
                ds.append(pltpu.make_async_copy(
                    p2tab.at[idxv.at[2 * KW + t]],
                    p2b.at[pl.ds(t * SL, SL)], gsem))
            return ds

        def start(j, idxv, wb, p1b, p2b, gsem):
            pltpu.sync_copy(idxall.at[wid, j], idxv)
            for d in gather_descs(idxv, wb, p1b, p2b, gsem):
                d.start()

        def wait_gathers(idxv, wb, p1b, p2b, gsem):
            for d in gather_descs(idxv, wb, p1b, p2b, gsem):
                d.wait()

        def write_descs(j, wb, p1b, p2b, wsem):
            base = wid * per_w + j * C
            return [
                pltpu.make_async_copy(
                    wb.at[:, pl.ds(0, word_dim)],
                    out.at[pl.ds(base, C), pl.ds(0, word_dim)], wsem),
                pltpu.make_async_copy(
                    p1b, out.at[pl.ds(base, C), pl.ds(word_dim, pos_dim)],
                    wsem),
                pltpu.make_async_copy(
                    p2b,
                    out.at[pl.ds(base, C), pl.ds(word_dim + pos_dim, pos_dim)],
                    wsem),
            ]

        def issue_writes(j, wb, p1b, p2b, wsem):
            for d in write_descs(j, wb, p1b, p2b, wsem):
                d.start()

        def wait_writes(wb, p1b, p2b, wsem):
            for d in write_descs(0, wb, p1b, p2b, wsem):
                d.wait()

        A = (idxA, wA, p1A, p2A, gsA)
        B = (idxB, wB, p1B, p2B, gsB)

        def half(j, cur, nxt, ws_cur, ws_nxt, first, last):
            wait_gathers(*cur)
            if not first:
                wait_writes(nxt[1], nxt[2], nxt[3], ws_nxt)
            issue_writes(j, cur[1], cur[2], cur[3], ws_cur)
            if not last:
                start(j + 1, *nxt)

        def pair(i, first=False, last=False):
            j = 2 * i
            half(j, A, B, wsA, wsB, first=first, last=False)
            half(j + 1, B, A, wsB, wsA, first=False, last=last)

        start(0, *A)
        pair(0, first=True)

        @pl.loop(1, n2 - 1)
        def body(i):
            pair(i)

        pair(n2 - 1, last=True)
        wait_writes(wB, p1B, p2B, wsB)

    return k


def kernel(word, pos1, pos2, word_table, pos1_table, pos2_table):
    b, s = word.shape
    word_dim = word_table.shape[1]
    pos_dim = pos1_table.shape[1]
    out_dim = word_dim + 2 * pos_dim
    n = b * s
    per_w = n // NW
    n_chunks = per_w // C

    def pack(a):
        return a.reshape(NW, n_chunks, KW, SL)

    idxall = jnp.stack(
        [pack(word), pack(pos1), pack(pos2)], axis=2
    ).reshape(NW, n_chunks, 3 * KW, SL)

    wtabp = jnp.pad(word_table, ((0, 0), (0, 128 - word_dim)))
    k = _make_kernel(n, word_dim, pos_dim, 128)
    out = k(idxall, wtabp, pos1_table, pos2_table)
    return out[:, :out_dim].reshape(b, s, out_dim)

# --- scband reference (transcript-rebuilt; emitter-appended) ---
"""Pipeline reference for scband-embedding-29094108463161 (READ-ONLY COPY).

The authoritative reference and input builder live on the scoring server;
editing this copy changes nothing except your own understanding.
"""

import jax, jax.numpy as jnp
import numpy as np

VOCAB_SIZE = 1000000
WORD_DIM = 64
POS_SIZE = 512
POS_DIM = 16
BATCH = 4096
SEQ = 200


def setup_inputs(seed: int = 0) -> dict:
    key = jax.random.key(seed)
    k1, k2, k3, k4, k5, k6 = jax.random.split(key, 6)
    word = jax.random.randint(k1, (BATCH, SEQ), 0, VOCAB_SIZE, dtype=jnp.int64 if jax.config.jax_enable_x64 else jnp.int32).astype(jnp.int32)
    pos1 = jax.random.randint(k2, (BATCH, SEQ), 0, POS_SIZE).astype(jnp.int32)
    pos2 = jax.random.randint(k3, (BATCH, SEQ), 0, POS_SIZE).astype(jnp.int32)
    # Learned parameters: word embedding table (would be loaded from data_word_vec),
    # and two xavier-initialized position embedding tables.
    word_table = jax.random.normal(k4, (VOCAB_SIZE, WORD_DIM), dtype=jnp.float32) * 0.02
    limit_pos = float(np.sqrt(6.0 / (POS_SIZE + POS_DIM)))
    pos1_table = jax.random.uniform(k5, (POS_SIZE, POS_DIM), dtype=jnp.float32, minval=-limit_pos, maxval=limit_pos)
    pos2_table = jax.random.uniform(k6, (POS_SIZE, POS_DIM), dtype=jnp.float32, minval=-limit_pos, maxval=limit_pos)
    return {
        "word": word,
        "pos1": pos1,
        "pos2": pos2,
        "word_table": word_table,
        "pos1_table": pos1_table,
        "pos2_table": pos2_table,
    }


def reference(word, pos1, pos2, word_table, pos1_table, pos2_table):
    # word_embedding(word) -> gather rows
    w = jnp.take(word_table, word, axis=0)        # [B, S, WORD_DIM]
    p1 = jnp.take(pos1_table, pos1, axis=0)       # [B, S, POS_DIM]
    p2 = jnp.take(pos2_table, pos2, axis=0)       # [B, S, POS_DIM]
    embedding = jnp.concatenate((w, p1, p2), axis=2)  # [B, S, WORD_DIM + 2*POS_DIM]
    return embedding

if __name__ == "__main__":
    import jax
    _d = setup_inputs()
    print(jax.jit(kernel)(*tuple(_d.values())))

</pallas_src>

<mosaic_0001>
#map = affine_map<(d0, d1) -> (0, 0, 0, 0)>
#map1 = affine_map<(d0, d1) -> (0, 0)>
module attributes {stable_mosaic.version = 14 : i64} {
  func.func @k(%arg0: i32, %arg1: i32, %arg2: memref<32x100x6x128xi32, #tpu.memory_space<hbm>>, %arg3: memref<1000000x128xf32, #tpu.memory_space<hbm>>, %arg4: memref<512x16xf32, #tpu.memory_space<hbm>>, %arg5: memref<512x16xf32, #tpu.memory_space<hbm>>, %arg6: memref<819200x128xf32, #tpu.memory_space<hbm>>, %arg7: memref<6x128xi32, #tpu.memory_space<vmem>>, %arg8: memref<6x128xi32, #tpu.memory_space<vmem>>, %arg9: memref<256x128xf32, #tpu.memory_space<vmem>>, %arg10: memref<256x128xf32, #tpu.memory_space<vmem>>, %arg11: memref<256x16xf32, #tpu.memory_space<vmem>>, %arg12: memref<256x16xf32, #tpu.memory_space<vmem>>, %arg13: memref<256x16xf32, #tpu.memory_space<vmem>>, %arg14: memref<256x16xf32, #tpu.memory_space<vmem>>, %arg15: memref<!tpu.dma_semaphore, #tpu.memory_space<semaphore_mem>>, %arg16: memref<!tpu.dma_semaphore, #tpu.memory_space<semaphore_mem>>, %arg17: memref<!tpu.dma_semaphore, #tpu.memory_space<semaphore_mem>>, %arg18: memref<!tpu.dma_semaphore, #tpu.memory_space<semaphore_mem>>) attributes {dimension_semantics = [#tpu.dimension_semantics<core_parallel>, #tpu.dimension_semantics<subcore_parallel>], iteration_bounds = array<i64: 2, 16>, scalar_prefetch = 0 : i64, scratch_operands = 12 : i64, tpu.core_type = #tpu.core_type<sc_vector_subcore>, window_params = [{transform_indices = #map}, {transform_indices = #map1}, {transform_indices = #map1}, {transform_indices = #map1}, {transform_indices = #map1}]} {
    %mul3A = arith.constant 2 : i32
    %mul3A_0 = arith.muli %arg1, %mul3A : i32
    %add3A = arith.addi %mul3A_0, %arg0 : i32
    %run_scoped3A = arith.constant 0 : i32
    "tpu.region"() ({
      %run_scoped3A_662 = tpu.sem_alloc : memref<!tpu.dma_semaphore, #tpu.memory_space<semaphore_mem>>
      %dma_start3A_663 = arith.constant 0 : i32
      %dma_start3A_664 = arith.constant 0 : i32
      %dma_start3A_665 = tpu.memref_slice %arg2[%add3A, %run_scoped3A, %dma_start3A_663, %dma_start3A_664] : memref<32x100x6x128xi32, #tpu.memory_space<hbm>> -> memref<1x1x6x128xi32, #tpu.memory_space<hbm>>
      %dma_start3A_666 = tpu.memref_squeeze %dma_start3A_665 : memref<1x1x6x128xi32, #tpu.memory_space<hbm>> -> memref<6x128xi32, #tpu.memory_space<hbm>>
      %dma_start3A_667 = arith.constant 0 : i32
      %dma_start3A_668 = arith.constant 0 : i32
      %dma_start3A_669 = tpu.memref_slice %arg2[%add3A, %run_scoped3A, %dma_start3A_667, %dma_start3A_668] : memref<32x100x6x128xi32, #tpu.memory_space<hbm>> -> memref<1x1x6x128xi32, #tpu.memory_space<hbm>>
      %dma_start3A_670 = tpu.memref_squeeze %dma_start3A_669 : memref<1x1x6x128xi32, #tpu.memory_space<hbm>> -> memref<6x128xi32, #tpu.memory_space<hbm>>
      tpu.enqueue_dma source(%dma_start3A_670 : memref<6x128xi32, #tpu.memory_space<hbm>>) target(%arg7 : memref<6x128xi32, #tpu.memory_space<vmem>>) target_semaphore(%run_scoped3A_662 : memref<!tpu.dma_semaphore, #tpu.memory_space<semaphore_mem>>)
      %dma_wait3A_671 = arith.constant 0 : i32
      %dma_wait3A_672 = arith.constant 0 : i32
      %dma_wait3A_673 = tpu.memref_slice %arg2[%add3A, %run_scoped3A, %dma_wait3A_671, %dma_wait3A_672] : memref<32x100x6x128xi32, #tpu.memory_space<hbm>> -> memref<1x1x6x128xi32, #tpu.memory_space<hbm>>
      %dma_wait3A_674 = tpu.memref_squeeze %dma_wait3A_673 : memref<1x1x6x128xi32, #tpu.memory_space<hbm>> -> memref<6x128xi32, #tpu.memory_space<hbm>>
      %dma_wait3A_675 = arith.constant 0 : i32
      %dma_wait3A_676 = arith.constant 0 : i32
      %dma_wait3A_677 = tpu.memref_slice %arg2[%add3A, %run_scoped3A, %dma_wait3A_675, %dma_wait3A_676] : memref<32x100x6x128xi32, #tpu.memory_space<hbm>> -> memref<1x1x6x128xi32, #tpu.memory_space<hbm>>
      %dma_wait3A_678 = tpu.memref_squeeze %dma_wait3A_677 : memref<1x1x6x128xi32, #tpu.memory_space<hbm>> -> memref<6x128xi32, #tpu.memory_space<hbm>>
      tpu.wait_dma2 semaphore(%run_scoped3A_662 : memref<!tpu.dma_semaphore, #tpu.memory_space<semaphore_mem>>) src(%dma_wait3A_678 : memref<6x128xi32, #tpu.memory_space<hbm>>) dst(%arg7 : memref<6x128xi32, #tpu.memory_space<vmem>>)
      tpu.yield
    }) : () -> ()
    %dma_start3A = arith.constant 0 : i32
    %dma_start3A_1 = arith.constant 0 : i32
    %dma_start3A_2 = arith.constant 0 : i32
    %dma_start3A_3 = tpu.memref_slice %arg9[%dma_start3A_1, %dma_start3A_2] : memref<256x128xf32, #tpu.memory_space<vmem>> -> memref<128x128xf32, #tpu.memory_space<vmem>>
    %dma_start3A_4 = arith.constant 0 : i32
    %dma_start3A_5 = tpu.memref_slice %arg7[%dma_start3A, %dma_start3A_4] : memref<6x128xi32, #tpu.memory_space<vmem>> -> memref<1x128xi32, #tpu.memory_space<vmem>>
    %dma_start3A_6 = tpu.memref_squeeze %dma_start3A_5 : memref<1x128xi32, #tpu.memory_space<vmem>> -> memref<128xi32, #tpu.memory_space<vmem>>
    %dma_start3A_7 = arith.constant 0 : i32
    %dma_start3A_8 = arith.constant 0 : i32
    %dma_start3A_9 = tpu.memref_slice %arg3[%dma_start3A_7, %dma_start3A_8] : memref<1000000x128xf32, #tpu.memory_space<hbm>> -> memref<1000000x128xf32, #tpu.memory_space<hbm>>
    tpu.enqueue_indirect_dma source(%dma_start3A_9 : memref<1000000x128xf32, #tpu.memory_space<hbm>>) target(%dma_start3A_3 : memref<128x128xf32, #tpu.memory_space<vmem>>) offsets(%dma_start3A_6 : memref<128xi32, #tpu.memory_space<vmem>>) semaphore(%arg15 : memref<!tpu.dma_semaphore, #tpu.memory_space<semaphore_mem>>)
    %dma_start3A_10 = arith.constant 2 : i32
    %dma_start3A_11 = arith.constant 0 : i32
    %dma_start3A_12 = arith.constant 0 : i32
    %dma_start3A_13 = tpu.memref_slice %arg11[%dma_start3A_11, %dma_start3A_12] : memref<256x16xf32, #tpu.memory_space<vmem>> -> memref<128x16xf32, #tpu.memory_space<vmem>>
    %dma_start3A_14 = arith.constant 0 : i32
    %dma_start3A_15 = tpu.memref_slice %arg7[%dma_start3A_10, %dma_start3A_14] : memref<6x128xi32, #tpu.memory_space<vmem>> -> memref<1x128xi32, #tpu.memory_space<vmem>>
    %dma_start3A_16 = tpu.memref_squeeze %dma_start3A_15 : memref<1x128xi32, #tpu.memory_space<vmem>> -> memref<128xi32, #tpu.memory_space<vmem>>
    %dma_start3A_17 = arith.constant 0 : i32
    %dma_start3A_18 = arith.constant 0 : i32
    %dma_start3A_19 = tpu.memref_slice %arg4[%dma_start3A_17, %dma_start3A_18] : memref<512x16xf32, #tpu.memory_space<hbm>> -> memref<512x16xf32, #tpu.memory_space<hbm>>
    tpu.enqueue_indirect_dma source(%dma_start3A_19 : memref<512x16xf32, #tpu.memory_space<hbm>>) target(%dma_start3A_13 : memref<128x16xf32, #tpu.memory_space<vmem>>) offsets(%dma_start3A_16 : memref<128xi32, #tpu.memory_space<vmem>>) semaphore(%arg15 : memref<!tpu.dma_semaphore, #tpu.memory_space<semaphore_mem>>)
    %dma_start3A_20 = arith.constant 4 : i32
    %dma_start3A_21 = arith.constant 0 : i32
    %dma_start3A_22 = arith.constant 0 : i32
    %dma_start3A_23 = tpu.memref_slice %arg13[%dma_start3A_21, %dma_start3A_22] : memref<256x16xf32, #tpu.memory_space<vmem>> -> memref<128x16xf32, #tpu.memory_space<vmem>>
    %dma_start3A_24 = arith.constant 0 : i32
    %dma_start3A_25 = tpu.memref_slice %arg7[%dma_start3A_20, %dma_start3A_24] : memref<6x128xi32, #tpu.memory_space<vmem>> -> memref<1x128xi32, #tpu.memory_space<vmem>>
    %dma_start3A_26 = tpu.memref_squeeze %dma_start3A_25 : memref<1x128xi32, #tpu.memory_space<vmem>> -> memref<128xi32, #tpu.memory_space<vmem>>
    %dma_start3A_27 = arith.constant 0 : i32
    %dma_start3A_28 = arith.constant 0 : i32
    %dma_start3A_29 = tpu.memref_slice %arg5[%dma_start3A_27, %dma_start3A_28] : memref<512x16xf32, #tpu.memory_space<hbm>> -> memref<512x16xf32, #tpu.memory_space<hbm>>
    tpu.enqueue_indirect_dma source(%dma_start3A_29 : memref<512x16xf32, #tpu.memory_space<hbm>>) target(%dma_start3A_23 : memref<128x16xf32, #tpu.memory_space<vmem>>) offsets(%dma_start3A_26 : memref<128xi32, #tpu.memory_space<vmem>>) semaphore(%arg15 : memref<!tpu.dma_semaphore, #tpu.memory_space<semaphore_mem>>)
    %dma_start3A_30 = arith.constant 1 : i32
    %dma_start3A_31 = arith.constant 128 : i32
    %dma_start3A_32 = arith.constant 0 : i32
    %dma_start3A_33 = tpu.memref_slice %arg9[%dma_start3A_31, %dma_start3A_32] : memref<256x128xf32, #tpu.memory_space<vmem>> -> memref<128x128xf32, #tpu.memory_space<vmem>>
    %dma_start3A_34 = arith.constant 0 : i32
    %dma_start3A_35 = tpu.memref_slice %arg7[%dma_start3A_30, %dma_start3A_34] : memref<6x128xi32, #tpu.memory_space<vmem>> -> memref<1x128xi32, #tpu.memory_space<vmem>>
    %dma_start3A_36 = tpu.memref_squeeze %dma_start3A_35 : memref<1x128xi32, #tpu.memory_space<vmem>> -> memref<128xi32, #tpu.memory_space<vmem>>
    %dma_start3A_37 = arith.constant 0 : i32
    %dma_start3A_38 = arith.constant 0 : i32
    %dma_start3A_39 = tpu.memref_slice %arg3[%dma_start3A_37, %dma_start3A_38] : memref<1000000x128xf32, #tpu.memory_space<hbm>> -> memref<1000000x128xf32, #tpu.memory_space<hbm>>
    tpu.enqueue_indirect_dma source(%dma_start3A_39 : memref<1000000x128xf32, #tpu.memory_space<hbm>>) target(%dma_start3A_33 : memref<128x128xf32, #tpu.memory_space<vmem>>) offsets(%dma_start3A_36 : memref<128xi32, #tpu.memory_space<vmem>>) semaphore(%arg15 : memref<!tpu.dma_semaphore, #tpu.memory_space<semaphore_mem>>)
    %dma_start3A_40 = arith.constant 3 : i32
    %dma_start3A_41 = arith.constant 128 : i32
    %dma_start3A_42 = arith.constant 0 : i32
    %dma_start3A_43 = tpu.memref_slice %arg11[%dma_start3A_41, %dma_start3A_42] : memref<256x16xf32, #tpu.memory_space<vmem>> -> memref<128x16xf32, #tpu.memory_space<vmem>>
    %dma_start3A_44 = arith.constant 0 : i32
    %dma_start3A_45 = tpu.memref_slice %arg7[%dma_start3A_40, %dma_start3A_44] : memref<6x128xi32, #tpu.memory_space<vmem>> -> memref<1x128xi32, #tpu.memory_space<vmem>>
    %dma_start3A_46 = tpu.memref_squeeze %dma_start3A_45 : memref<1x128xi32, #tpu.memory_space<vmem>> -> memref<128xi32, #tpu.memory_space<vmem>>
    %dma_start3A_47 = arith.constant 0 : i32
    %dma_start3A_48 = arith.constant 0 : i32
    %dma_start3A_49 = tpu.memref_slice %arg4[%dma_start3A_47, %dma_start3A_48] : memref<512x16xf32, #tpu.memory_space<hbm>> -> memref<512x16xf32, #tpu.memory_space<hbm>>
    tpu.enqueue_indirect_dma source(%dma_start3A_49 : memref<512x16xf32, #tpu.memory_space<hbm>>) target(%dma_start3A_43 : memref<128x16xf32, #tpu.memory_space<vmem>>) offsets(%dma_start3A_46 : memref<128xi32, #tpu.memory_space<vmem>>) semaphore(%arg15 : memref<!tpu.dma_semaphore, #tpu.memory_space<semaphore_mem>>)
    %dma_start3A_50 = arith.constant 5 : i32
    %dma_start3A_51 = arith.constant 128 : i32
    %dma_start3A_52 = arith.constant 0 : i32
    %dma_start3A_53 = tpu.memref_slice %arg13[%dma_start3A_51, %dma_start3A_52] : memref<256x16xf32, #tpu.memory_space<vmem>> -> memref<128x16xf32, #tpu.memory_space<vmem>>
    %dma_start3A_54 = arith.constant 0 : i32
    %dma_start3A_55 = tpu.memref_slice %arg7[%dma_start3A_50, %dma_start3A_54] : memref<6x128xi32, #tpu.memory_space<vmem>> -> memref<1x128xi32, #tpu.memory_space<vmem>>
    %dma_start3A_56 = tpu.memref_squeeze %dma_start3A_55 : memref<1x128xi32, #tpu.memory_space<vmem>> -> memref<128xi32, #tpu.memory_space<vmem>>
    %dma_start3A_57 = arith.constant 0 : i32
    %dma_start3A_58 = arith.constant 0 : i32
    %dma_start3A_59 = tpu.memref_slice %arg5[%dma_start3A_57, %dma_start3A_58] : memref<512x16xf32, #tpu.memory_space<hbm>> -> memref<512x16xf32, #tpu.memory_space<hbm>>
    tpu.enqueue_indirect_dma source(%dma_start3A_59 : memref<512x16xf32, #tpu.memory_space<hbm>>) target(%dma_start3A_53 : memref<128x16xf32, #tpu.memory_space<vmem>>) offsets(%dma_start3A_56 : memref<128xi32, #tpu.memory_space<vmem>>) semaphore(%arg15 : memref<!tpu.dma_semaphore, #tpu.memory_space<semaphore_mem>>)
    %dma_wait3A = arith.constant 0 : i32
    %dma_wait3A_60 = arith.constant 0 : i32
    %dma_wait3A_61 = arith.constant 0 : i32
    %dma_wait3A_62 = tpu.memref_slice %arg9[%dma_wait3A_60, %dma_wait3A_61] : memref<256x128xf32, #tpu.memory_space<vmem>> -> memref<128x128xf32, #tpu.memory_space<vmem>>
    %dma_wait3A_63 = arith.constant 0 : i32
    %dma_wait3A_64 = tpu.memref_slice %arg7[%dma_wait3A, %dma_wait3A_63] : memref<6x128xi32, #tpu.memory_space<vmem>> -> memref<1x128xi32, #tpu.memory_space<vmem>>
    %dma_wait3A_65 = tpu.memref_squeeze %dma_wait3A_64 : memref<1x128xi32, #tpu.memory_space<vmem>> -> memref<128xi32, #tpu.memory_space<vmem>>
    %dma_wait3A_66 = arith.constant 0 : i32
    %dma_wait3A_67 = arith.constant 0 : i32
    %dma_wait3A_68 = tpu.memref_slice %arg3[%dma_wait3A_66, %dma_wait3A_67] : memref<1000000x128xf32, #tpu.memory_space<hbm>> -> memref<1000000x128xf32, #tpu.memory_space<hbm>>
    tpu.wait_indirect_dma semaphore(%arg15 : memref<!tpu.dma_semaphore, #tpu.memory_space<semaphore_mem>>) src(%dma_wait3A_68 : memref<1000000x128xf32, #tpu.memory_space<hbm>>) dst(%dma_wait3A_62 : memref<128x128xf32, #tpu.memory_space<vmem>>)
    %dma_wait3A_69 = arith.constant 2 : i32
    %dma_wait3A_70 = arith.constant 0 : i32
    %dma_wait3A_71 = arith.constant 0 : i32
    %dma_wait3A_72 = tpu.memref_slice %arg11[%dma_wait3A_70, %dma_wait3A_71] : memref<256x16xf32, #tpu.memory_space<vmem>> -> memref<128x16xf32, #tpu.memory_space<vmem>>
    %dma_wait3A_73 = arith.constant 0 : i32
    %dma_wait3A_74 = tpu.memref_slice %arg7[%dma_wait3A_69, %dma_wait3A_73] : memref<6x128xi32, #tpu.memory_space<vmem>> -> memref<1x128xi32, #tpu.memory_space<vmem>>
    %dma_wait3A_75 = tpu.memref_squeeze %dma_wait3A_74 : memref<1x128xi32, #tpu.memory_space<vmem>> -> memref<128xi32, #tpu.memory_space<vmem>>
    %dma_wait3A_76 = arith.constant 0 : i32
    %dma_wait3A_77 = arith.constant 0 : i32
    %dma_wait3A_78 = tpu.memref_slice %arg4[%dma_wait3A_76, %dma_wait3A_77] : memref<512x16xf32, #tpu.memory_space<hbm>> -> memref<512x16xf32, #tpu.memory_space<hbm>>
    tpu.wait_indirect_dma semaphore(%arg15 : memref<!tpu.dma_semaphore, #tpu.memory_space<semaphore_mem>>) src(%dma_wait3A_78 : memref<512x16xf32, #tpu.memory_space<hbm>>) dst(%dma_wait3A_72 : memref<128x16xf32, #tpu.memory_space<vmem>>)
    %dma_wait3A_79 = arith.constant 4 : i32
    %dma_wait3A_80 = arith.constant 0 : i32
    %dma_wait3A_81 = arith.constant 0 : i32
    %dma_wait3A_82 = tpu.memref_slice %arg13[%dma_wait3A_80, %dma_wait3A_81] : memref<256x16xf32, #tpu.memory_space<vmem>> -> memref<128x16xf32, #tpu.memory_space<vmem>>
    %dma_wait3A_83 = arith.constant 0 : i32
    %dma_wait3A_84 = tpu.memref_slice %arg7[%dma_wait3A_79, %dma_wait3A_83] : memref<6x128xi32, #tpu.memory_space<vmem>> -> memref<1x128xi32, #tpu.memory_space<vmem>>
    %dma_wait3A_85 = tpu.memref_squeeze %dma_wait3A_84 : memref<1x128xi32, #tpu.memory_space<vmem>> -> memref<128xi32, #tpu.memory_space<vmem>>
    %dma_wait3A_86 = arith.constant 0 : i32
    %dma_wait3A_87 = arith.constant 0 : i32
    %dma_wait3A_88 = tpu.memref_slice %arg5[%dma_wait3A_86, %dma_wait3A_87] : memref<512x16xf32, #tpu.memory_space<hbm>> -> memref<512x16xf32, #tpu.memory_space<hbm>>
    tpu.wait_indirect_dma semaphore(%arg15 : memref<!tpu.dma_semaphore, #tpu.memory_space<semaphore_mem>>) src(%dma_wait3A_88 : memref<512x16xf32, #tpu.memory_space<hbm>>) dst(%dma_wait3A_82 : memref<128x16xf32, #tpu.memory_space<vmem>>)
    %dma_wait3A_89 = arith.constant 1 : i32
    %dma_wait3A_90 = arith.constant 128 : i32
    %dma_wait3A_91 = arith.constant 0 : i32
    %dma_wait3A_92 = tpu.memref_slice %arg9[%dma_wait3A_90, %dma_wait3A_91] : memref<256x128xf32, #tpu.memory_space<vmem>> -> memref<128x128xf32, #tpu.memory_space<vmem>>
    %dma_wait3A_93 = arith.constant 0 : i32
    %dma_wait3A_94 = tpu.memref_slice %arg7[%dma_wait3A_89, %dma_wait3A_93] : memref<6x128xi32, #tpu.memory_space<vmem>> -> memref<1x128xi32, #tpu.memory_space<vmem>>
    %dma_wait3A_95 = tpu.memref_squeeze %dma_wait3A_94 : memref<1x128xi32, #tpu.memory_space<vmem>> -> memref<128xi32, #tpu.memory_space<vmem>>
    %dma_wait3A_96 = arith.constant 0 : i32
    %dma_wait3A_97 = arith.constant 0 : i32
    %dma_wait3A_98 = tpu.memref_slice %arg3[%dma_wait3A_96, %dma_wait3A_97] : memref<1000000x128xf32, #tpu.memory_space<hbm>> -> memref<1000000x128xf32, #tpu.memory_space<hbm>>
    tpu.wait_indirect_dma semaphore(%arg15 : memref<!tpu.dma_semaphore, #tpu.memory_space<semaphore_mem>>) src(%dma_wait3A_98 : memref<1000000x128xf32, #tpu.memory_space<hbm>>) dst(%dma_wait3A_92 : memref<128x128xf32, #tpu.memory_space<vmem>>)
    %dma_wait3A_99 = arith.constant 3 : i32
    %dma_wait3A_100 = arith.constant 128 : i32
    %dma_wait3A_101 = arith.constant 0 : i32
    %dma_wait3A_102 = tpu.memref_slice %arg11[%dma_wait3A_100, %dma_wait3A_101] : memref<256x16xf32, #tpu.memory_space<vmem>> -> memref<128x16xf32, #tpu.memory_space<vmem>>
    %dma_wait3A_103 = arith.constant 0 : i32
    %dma_wait3A_104 = tpu.memref_slice %arg7[%dma_wait3A_99, %dma_wait3A_103] : memref<6x128xi32, #tpu.memory_space<vmem>> -> memref<1x128xi32, #tpu.memory_space<vmem>>
    %dma_wait3A_105 = tpu.memref_squeeze %dma_wait3A_104 : memref<1x128xi32, #tpu.memory_space<vmem>> -> memref<128xi32, #tpu.memory_space<vmem>>
    %dma_wait3A_106 = arith.constant 0 : i32
    %dma_wait3A_107 = arith.constant 0 : i32
    %dma_wait3A_108 = tpu.memref_slice %arg4[%dma_wait3A_106, %dma_wait3A_107] : memref<512x16xf32, #tpu.memory_space<hbm>> -> memref<512x16xf32, #tpu.memory_space<hbm>>
    tpu.wait_indirect_dma semaphore(%arg15 : memref<!tpu.dma_semaphore, #tpu.memory_space<semaphore_mem>>) src(%dma_wait3A_108 : memref<512x16xf32, #tpu.memory_space<hbm>>) dst(%dma_wait3A_102 : memref<128x16xf32, #tpu.memory_space<vmem>>)
    %dma_wait3A_109 = arith.constant 5 : i32
    %dma_wait3A_110 = arith.constant 128 : i32
    %dma_wait3A_111 = arith.constant 0 : i32
    %dma_wait3A_112 = tpu.memref_slice %arg13[%dma_wait3A_110, %dma_wait3A_111] : memref<256x16xf32, #tpu.memory_space<vmem>> -> memref<128x16xf32, #tpu.memory_space<vmem>>
    %dma_wait3A_113 = arith.constant 0 : i32
    %dma_wait3A_114 = tpu.memref_slice %arg7[%dma_wait3A_109, %dma_wait3A_113] : memref<6x128xi32, #tpu.memory_space<vmem>> -> memref<1x128xi32, #tpu.memory_space<vmem>>
    %dma_wait3A_115 = tpu.memref_squeeze %dma_wait3A_114 : memref<1x128xi32, #tpu.memory_space<vmem>> -> memref<128xi32, #tpu.memory_space<vmem>>
    %dma_wait3A_116 = arith.constant 0 : i32
    %dma_wait3A_117 = arith.constant 0 : i32
    %dma_wait3A_118 = tpu.memref_slice %arg5[%dma_wait3A_116, %dma_wait3A_117] : memref<512x16xf32, #tpu.memory_space<hbm>> -> memref<512x16xf32, #tpu.memory_space<hbm>>
    tpu.wait_indirect_dma semaphore(%arg15 : memref<!tpu.dma_semaphore, #tpu.memory_space<semaphore_mem>>) src(%dma_wait3A_118 : memref<512x16xf32, #tpu.memory_space<hbm>>) dst(%dma_wait3A_112 : memref<128x16xf32, #tpu.memory_space<vmem>>)
    %mul3A_119 = arith.constant 25600 : i32
    %mul3A_120 = arith.muli %add3A, %mul3A_119 : i32
    %add3A_121 = arith.constant 0 : i32
    %add3A_122 = arith.addi %mul3A_120, %add3A_121 : i32
    %dma_start3A_123 = arith.constant 0 : i32
    %dma_start3A_124 = arith.constant 0 : i32
    %dma_start3A_125 = tpu.memref_slice %arg9[%dma_start3A_123, %dma_start3A_124] : memref<256x128xf32, #tpu.memory_space<vmem>> -> memref<256x64xf32, #tpu.memory_space<vmem>>
    %dma_start3A_126 = arith.constant 0 : i32
    %dma_start3A_127 = tpu.memref_slice %arg6[%add3A_122, %dma_start3A_126] : memref<819200x128xf32, #tpu.memory_space<hbm>> -> memref<256x64xf32, #tpu.memory_space<hbm>>
    %dma_start3A_128 = arith.constant 0 : i32
    %dma_start3A_129 = tpu.memref_slice %arg6[%add3A_122, %dma_start3A_128] : memref<819200x128xf32, #tpu.memory_space<hbm>> -> memref<256x64xf32, #tpu.memory_space<hbm>>
    %dma_start3A_130 = arith.constant 0 : i32
    %dma_start3A_131 = arith.constant 0 : i32
    %dma_start3A_132 = tpu.memref_slice %arg9[%dma_start3A_130, %dma_start3A_131] : memref<256x128xf32, #tpu.memory_space<vmem>> -> memref<256x64xf32, #tpu.memory_space<vmem>>
    tpu.enqueue_dma source(%dma_start3A_132 : memref<256x64xf32, #tpu.memory_space<vmem>>) target(%dma_start3A_129 : memref<256x64xf32, #tpu.memory_space<hbm>>) target_semaphore(%arg17 : memref<!tpu.dma_semaphore, #tpu.memory_space<semaphore_mem>>)
    %dma_start3A_133 = arith.constant 64 : i32
    %dma_start3A_134 = tpu.memref_slice %arg6[%add3A_122, %dma_start3A_133] : memref<819200x128xf32, #tpu.memory_space<hbm>> -> memref<256x16xf32, #tpu.memory_space<hbm>>
    %dma_start3A_135 = arith.constant 64 : i32
    %dma_start3A_136 = tpu.memref_slice %arg6[%add3A_122, %dma_start3A_135] : memref<819200x128xf32, #tpu.memory_space<hbm>> -> memref<256x16xf32, #tpu.memory_space<hbm>>
    tpu.enqueue_dma source(%arg11 : memref<256x16xf32, #tpu.memory_space<vmem>>) target(%dma_start3A_136 : memref<256x16xf32, #tpu.memory_space<hbm>>) target_semaphore(%arg17 : memref<!tpu.dma_semaphore, #tpu.memory_space<semaphore_mem>>)
    %dma_start3A_137 = arith.constant 80 : i32
    %dma_start3A_138 = tpu.memref_slice %arg6[%add3A_122, %dma_start3A_137] : memref<819200x128xf32, #tpu.memory_space<hbm>> -> memref<256x16xf32, #tpu.memory_space<hbm>>
    %dma_start3A_139 = arith.constant 80 : i32
    %dma_start3A_140 = tpu.memref_slice %arg6[%add3A_122, %dma_start3A_139] : memref<819200x128xf32, #tpu.memory_space<hbm>> -> memref<256x16xf32, #tpu.memory_space<hbm>>
    tpu.enqueue_dma source(%arg13 : memref<256x16xf32, #tpu.memory_space<vmem>>) target(%dma_start3A_140 : memref<256x16xf32, #tpu.memory_space<hbm>>) target_semaphore(%arg17 : memref<!tpu.dma_semaphore, #tpu.memory_space<semaphore_mem>>)
    %run_scoped3A_141 = arith.constant 1 : i32
    "tpu.region"() ({
      %run_scoped3A_662 = tpu.sem_alloc : memref<!tpu.dma_semaphore, #tpu.memory_space<semaphore_mem>>
      %dma_start3A_663 = arith.constant 0 : i32
      %dma_start3A_664 = arith.constant 0 : i32
      %dma_start3A_665 = tpu.memref_slice %arg2[%add3A, %run_scoped3A_141, %dma_start3A_663, %dma_start3A_664] : memref<32x100x6x128xi32, #tpu.memory_space<hbm>> -> memref<1x1x6x128xi32, #tpu.memory_space<hbm>>
      %dma_start3A_666 = tpu.memref_squeeze %dma_start3A_665 : memref<1x1x6x128xi32, #tpu.memory_space<hbm>> -> memref<6x128xi32, #tpu.memory_space<hbm>>
      %dma_start3A_667 = arith.constant 0 : i32
      %dma_start3A_668 = arith.constant 0 : i32
      %dma_start3A_669 = tpu.memref_slice %arg2[%add3A, %run_scoped3A_141, %dma_start3A_667, %dma_start3A_668] : memref<32x100x6x128xi32, #tpu.memory_space<hbm>> -> memref<1x1x6x128xi32, #tpu.memory_space<hbm>>
      %dma_start3A_670 = tpu.memref_squeeze %dma_start3A_669 : memref<1x1x6x128xi32, #tpu.memory_space<hbm>> -> memref<6x128xi32, #tpu.memory_space<hbm>>
      tpu.enqueue_dma source(%dma_start3A_670 : memref<6x128xi32, #tpu.memory_space<hbm>>) target(%arg8 : memref<6x128xi32, #tpu.memory_space<vmem>>) target_semaphore(%run_scoped3A_662 : memref<!tpu.dma_semaphore, #tpu.memory_space<semaphore_mem>>)
      %dma_wait3A_671 = arith.constant 0 : i32
      %dma_wait3A_672 = arith.constant 0 : i32
      %dma_wait3A_673 = tpu.memref_slice %arg2[%add3A, %run_scoped3A_141, %dma_wait3A_671, %dma_wait3A_672] : memref<32x100x6x128xi32, #tpu.memory_space<hbm>> -> memref<1x1x6x128xi32, #tpu.memory_space<hbm>>
      %dma_wait3A_674 = tpu.memref_squeeze %dma_wait3A_673 : memref<1x1x6x128xi32, #tpu.memory_space<hbm>> -> memref<6x128xi32, #tpu.memory_space<hbm>>
      %dma_wait3A_675 = arith.constant 0 : i32
      %dma_wait3A_676 = arith.constant 0 : i32
      %dma_wait3A_677 = tpu.memref_slice %arg2[%add3A, %run_scoped3A_141, %dma_wait3A_675, %dma_wait3A_676] : memref<32x100x6x128xi32, #tpu.memory_space<hbm>> -> memref<1x1x6x128xi32, #tpu.memory_space<hbm>>
      %dma_wait3A_678 = tpu.memref_squeeze %dma_wait3A_677 : memref<1x1x6x128xi32, #tpu.memory_space<hbm>> -> memref<6x128xi32, #tpu.memory_space<hbm>>
      tpu.wait_dma2 semaphore(%run_scoped3A_662 : memref<!tpu.dma_semaphore, #tpu.memory_space<semaphore_mem>>) src(%dma_wait3A_678 : memref<6x128xi32, #tpu.memory_space<hbm>>) dst(%arg8 : memref<6x128xi32, #tpu.memory_space<vmem>>)
      tpu.yield
    }) : () -> ()
    %dma_start3A_142 = arith.constant 0 : i32
    %dma_start3A_143 = arith.constant 0 : i32
    %dma_start3A_144 = arith.constant 0 : i32
    %dma_start3A_145 = tpu.memref_slice %arg10[%dma_start3A_143, %dma_start3A_144] : memref<256x128xf32, #tpu.memory_space<vmem>> -> memref<128x128xf32, #tpu.memory_space<vmem>>
    %dma_start3A_146 = arith.constant 0 : i32
    %dma_start3A_147 = tpu.memref_slice %arg8[%dma_start3A_142, %dma_start3A_146] : memref<6x128xi32, #tpu.memory_space<vmem>> -> memref<1x128xi32, #tpu.memory_space<vmem>>
    %dma_start3A_148 = tpu.memref_squeeze %dma_start3A_147 : memref<1x128xi32, #tpu.memory_space<vmem>> -> memref<128xi32, #tpu.memory_space<vmem>>
    %dma_start3A_149 = arith.constant 0 : i32
    %dma_start3A_150 = arith.constant 0 : i32
    %dma_start3A_151 = tpu.memref_slice %arg3[%dma_start3A_149, %dma_start3A_150] : memref<1000000x128xf32, #tpu.memory_space<hbm>> -> memref<1000000x128xf32, #tpu.memory_space<hbm>>
    tpu.enqueue_indirect_dma source(%dma_start3A_151 : memref<1000000x128xf32, #tpu.memory_space<hbm>>) target(%dma_start3A_145 : memref<128x128xf32, #tpu.memory_space<vmem>>) offsets(%dma_start3A_148 : memref<128xi32, #tpu.memory_space<vmem>>) semaphore(%arg16 : memref<!tpu.dma_semaphore, #tpu.memory_space<semaphore_mem>>)
    %dma_start3A_152 = arith.constant 2 : i32
    %dma_start3A_153 = arith.constant 0 : i32
    %dma_start3A_154 = arith.constant 0 : i32
    %dma_start3A_155 = tpu.memref_slice %arg12[%dma_start3A_153, %dma_start3A_154] : memref<256x16xf32, #tpu.memory_space<vmem>> -> memref<128x16xf32, #tpu.memory_space<vmem>>
    %dma_start3A_156 = arith.constant 0 : i32
    %dma_start3A_157 = tpu.memref_slice %arg8[%dma_start3A_152, %dma_start3A_156] : memref<6x128xi32, #tpu.memory_space<vmem>> -> memref<1x128xi32, #tpu.memory_space<vmem>>
    %dma_start3A_158 = tpu.memref_squeeze %dma_start3A_157 : memref<1x128xi32, #tpu.memory_space<vmem>> -> memref<128xi32, #tpu.memory_space<vmem>>
    %dma_start3A_159 = arith.constant 0 : i32
    %dma_start3A_160 = arith.constant 0 : i32
    %dma_start3A_161 = tpu.memref_slice %arg4[%dma_start3A_159, %dma_start3A_160] : memref<512x16xf32, #tpu.memory_space<hbm>> -> memref<512x16xf32, #tpu.memory_space<hbm>>
    tpu.enqueue_indirect_dma source(%dma_start3A_161 : memref<512x16xf32, #tpu.memory_space<hbm>>) target(%dma_start3A_155 : memref<128x16xf32, #tpu.memory_space<vmem>>) offsets(%dma_start3A_158 : memref<128xi32, #tpu.memory_space<vmem>>) semaphore(%arg16 : memref<!tpu.dma_semaphore, #tpu.memory_space<semaphore_mem>>)
    %dma_start3A_162 = arith.constant 4 : i32
    %dma_start3A_163 = arith.constant 0 : i32
    %dma_start3A_164 = arith.constant 0 : i32
    %dma_start3A_165 = tpu.memref_slice %arg14[%dma_start3A_163, %dma_start3A_164] : memref<256x16xf32, #tpu.memory_space<vmem>> -> memref<128x16xf32, #tpu.memory_space<vmem>>
    %dma_start3A_166 = arith.constant 0 : i32
    %dma_start3A_167 = tpu.memref_slice %arg8[%dma_start3A_162, %dma_start3A_166] : memref<6x128xi32, #tpu.memory_space<vmem>> -> memref<1x128xi32, #tpu.memory_space<vmem>>
    %dma_start3A_168 = tpu.memref_squeeze %dma_start3A_167 : memref<1x128xi32, #tpu.memory_space<vmem>> -> memref<128xi32, #tpu.memory_space<vmem>>
    %dma_start3A_169 = arith.constant 0 : i32
    %dma_start3A_170 = arith.constant 0 : i32
    %dma_start3A_171 = tpu.memref_slice %arg5[%dma_start3A_169, %dma_start3A_170] : memref<512x16xf32, #tpu.memory_space<hbm>> -> memref<512x16xf32, #tpu.memory_space<hbm>>
    tpu.enqueue_indirect_dma source(%dma_start3A_171 : memref<512x16xf32, #tpu.memory_space<hbm>>) target(%dma_start3A_165 : memref<128x16xf32, #tpu.memory_space<vmem>>) offsets(%dma_start3A_168 : memref<128xi32, #tpu.memory_space<vmem>>) semaphore(%arg16 : memref<!tpu.dma_semaphore, #tpu.memory_space<semaphore_mem>>)
    %dma_start3A_172 = arith.constant 1 : i32
    %dma_start3A_173 = arith.constant 128 : i32
    %dma_start3A_174 = arith.constant 0 : i32
    %dma_start3A_175 = tpu.memref_slice %arg10[%dma_start3A_173, %dma_start3A_174] : memref<256x128xf32, #tpu.memory_space<vmem>> -> memref<128x128xf32, #tpu.memory_space<vmem>>
    %dma_start3A_176 = arith.constant 0 : i32
    %dma_start3A_177 = tpu.memref_slice %arg8[%dma_start3A_172, %dma_start3A_176] : memref<6x128xi32, #tpu.memory_space<vmem>> -> memref<1x128xi32, #tpu.memory_space<vmem>>
    %dma_start3A_178 = tpu.memref_squeeze %dma_start3A_177 : memref<1x128xi32, #tpu.memory_space<vmem>> -> memref<128xi32, #tpu.memory_space<vmem>>
    %dma_start3A_179 = arith.constant 0 : i32
    %dma_start3A_180 = arith.constant 0 : i32
    %dma_start3A_181 = tpu.memref_slice %arg3[%dma_start3A_179, %dma_start3A_180] : memref<1000000x128xf32, #tpu.memory_space<hbm>> -> memref<1000000x128xf32, #tpu.memory_space<hbm>>
    tpu.enqueue_indirect_dma source(%dma_start3A_181 : memref<1000000x128xf32, #tpu.memory_space<hbm>>) target(%dma_start3A_175 : memref<128x128xf32, #tpu.memory_space<vmem>>) offsets(%dma_start3A_178 : memref<128xi32, #tpu.memory_space<vmem>>) semaphore(%arg16 : memref<!tpu.dma_semaphore, #tpu.memory_space<semaphore_mem>>)
    %dma_start3A_182 = arith.constant 3 : i32
    %dma_start3A_183 = arith.constant 128 : i32
    %dma_start3A_184 = arith.constant 0 : i32
    %dma_start3A_185 = tpu.memref_slice %arg12[%dma_start3A_183, %dma_start3A_184] : memref<256x16xf32, #tpu.memory_space<vmem>> -> memref<128x16xf32, #tpu.memory_space<vmem>>
    %dma_start3A_186 = arith.constant 0 : i32
    %dma_start3A_187 = tpu.memref_slice %arg8[%dma_start3A_182, %dma_start3A_186] : memref<6x128xi32, #tpu.memory_space<vmem>> -> memref<1x128xi32, #tpu.memory_space<vmem>>
    %dma_start3A_188 = tpu.memref_squeeze %dma_start3A_187 : memref<1x128xi32, #tpu.memory_space<vmem>> -> memref<128xi32, #tpu.memory_space<vmem>>
    %dma_start3A_189 = arith.constant 0 : i32
    %dma_start3A_190 = arith.constant 0 : i32
    %dma_start3A_191 = tpu.memref_slice %arg4[%dma_start3A_189, %dma_start3A_190] : memref<512x16xf32, #tpu.memory_space<hbm>> -> memref<512x16xf32, #tpu.memory_space<hbm>>
    tpu.enqueue_indirect_dma source(%dma_start3A_191 : memref<512x16xf32, #tpu.memory_space<hbm>>) target(%dma_start3A_185 : memref<128x16xf32, #tpu.memory_space<vmem>>) offsets(%dma_start3A_188 : memref<128xi32, #tpu.memory_space<vmem>>) semaphore(%arg16 : memref<!tpu.dma_semaphore, #tpu.memory_space<semaphore_mem>>)
    %dma_start3A_192 = arith.constant 5 : i32
    %dma_start3A_193 = arith.constant 128 : i32
    %dma_start3A_194 = arith.constant 0 : i32
    %dma_start3A_195 = tpu.memref_slice %arg14[%dma_start3A_193, %dma_start3A_194] : memref<256x16xf32, #tpu.memory_space<vmem>> -> memref<128x16xf32, #tpu.memory_space<vmem>>
    %dma_start3A_196 = arith.constant 0 : i32
    %dma_start3A_197 = tpu.memref_slice %arg8[%dma_start3A_192, %dma_start3A_196] : memref<6x128xi32, #tpu.memory_space<vmem>> -> memref<1x128xi32, #tpu.memory_space<vmem>>
    %dma_start3A_198 = tpu.memref_squeeze %dma_start3A_197 : memref<1x128xi32, #tpu.memory_space<vmem>> -> memref<128xi32, #tpu.memory_space<vmem>>
    %dma_start3A_199 = arith.constant 0 : i32
    %dma_start3A_200 = arith.constant 0 : i32
    %dma_start3A_201 = tpu.memref_slice %arg5[%dma_start3A_199, %dma_start3A_200] : memref<512x16xf32, #tpu.memory_space<hbm>> -> memref<512x16xf32, #tpu.memory_space<hbm>>
    tpu.enqueue_indirect_dma source(%dma_start3A_201 : memref<512x16xf32, #tpu.memory_space<hbm>>) target(%dma_start3A_195 : memref<128x16xf32, #tpu.memory_space<vmem>>) offsets(%dma_start3A_198 : memref<128xi32, #tpu.memory_space<vmem>>) semaphore(%arg16 : memref<!tpu.dma_semaphore, #tpu.memory_space<semaphore_mem>>)
    %dma_wait3A_202 = arith.constant 0 : i32
    %dma_wait3A_203 = arith.constant 0 : i32
    %dma_wait3A_204 = arith.constant 0 : i32
    %dma_wait3A_205 = tpu.memref_slice %arg10[%dma_wait3A_203, %dma_wait3A_204] : memref<256x128xf32, #tpu.memory_space<vmem>> -> memref<128x128xf32, #tpu.memory_space<vmem>>
    %dma_wait3A_206 = arith.constant 0 : i32
    %dma_wait3A_207 = tpu.memref_slice %arg8[%dma_wait3A_202, %dma_wait3A_206] : memref<6x128xi32, #tpu.memory_space<vmem>> -> memref<1x128xi32, #tpu.memory_space<vmem>>
    %dma_wait3A_208 = tpu.memref_squeeze %dma_wait3A_207 : memref<1x128xi32, #tpu.memory_space<vmem>> -> memref<128xi32, #tpu.memory_space<vmem>>
    %dma_wait3A_209 = arith.constant 0 : i32
    %dma_wait3A_210 = arith.constant 0 : i32
    %dma_wait3A_211 = tpu.memref_slice %arg3[%dma_wait3A_209, %dma_wait3A_210] : memref<1000000x128xf32, #tpu.memory_space<hbm>> -> memref<1000000x128xf32, #tpu.memory_space<hbm>>
    tpu.wait_indirect_dma semaphore(%arg16 : memref<!tpu.dma_semaphore, #tpu.memory_space<semaphore_mem>>) src(%dma_wait3A_211 : memref<1000000x128xf32, #tpu.memory_space<hbm>>) dst(%dma_wait3A_205 : memref<128x128xf32, #tpu.memory_space<vmem>>)
    %dma_wait3A_212 = arith.constant 2 : i32
    %dma_wait3A_213 = arith.constant 0 : i32
    %dma_wait3A_214 = arith.constant 0 : i32
    %dma_wait3A_215 = tpu.memref_slice %arg12[%dma_wait3A_213, %dma_wait3A_214] : memref<256x16xf32, #tpu.memory_space<vmem>> -> memref<128x16xf32, #tpu.memory_space<vmem>>
    %dma_wait3A_216 = arith.constant 0 : i32
    %dma_wait3A_217 = tpu.memref_slice %arg8[%dma_wait3A_212, %dma_wait3A_216] : memref<6x128xi32, #tpu.memory_space<vmem>> -> memref<1x128xi32, #tpu.memory_space<vmem>>
    %dma_wait3A_218 = tpu.memref_squeeze %dma_wait3A_217 : memref<1x128xi32, #tpu.memory_space<vmem>> -> memref<128xi32, #tpu.memory_space<vmem>>
    %dma_wait3A_219 = arith.constant 0 : i32
    %dma_wait3A_220 = arith.constant 0 : i32
    %dma_wait3A_221 = tpu.memref_slice %arg4[%dma_wait3A_219, %dma_wait3A_220] : memref<512x16xf32, #tpu.memory_space<hbm>> -> memref<512x16xf32, #tpu.memory_space<hbm>>
    tpu.wait_indirect_dma semaphore(%arg16 : memref<!tpu.dma_semaphore, #tpu.memory_space<semaphore_mem>>) src(%dma_wait3A_221 : memref<512x16xf32, #tpu.memory_space<hbm>>) dst(%dma_wait3A_215 : memref<128x16xf32, #tpu.memory_space<vmem>>)
    %dma_wait3A_222 = arith.constant 4 : i32
    %dma_wait3A_223 = arith.constant 0 : i32
    %dma_wait3A_224 = arith.constant 0 : i32
    %dma_wait3A_225 = tpu.memref_slice %arg14[%dma_wait3A_223, %dma_wait3A_224] : memref<256x16xf32, #tpu.memory_space<vmem>> -> memref<128x16xf32, #tpu.memory_space<vmem>>
    %dma_wait3A_226 = arith.constant 0 : i32
    %dma_wait3A_227 = tpu.memref_slice %arg8[%dma_wait3A_222, %dma_wait3A_226] : memref<6x128xi32, #tpu.memory_space<vmem>> -> memref<1x128xi32, #tpu.memory_space<vmem>>
    %dma_wait3A_228 = tpu.memref_squeeze %dma_wait3A_227 : memref<1x128xi32, #tpu.memory_space<vmem>> -> memref<128xi32, #tpu.memory_space<vmem>>
    %dma_wait3A_229 = arith.constant 0 : i32
    %dma_wait3A_230 = arith.constant 0 : i32
    %dma_wait3A_231 = tpu.memref_slice %arg5[%dma_wait3A_229, %dma_wait3A_230] : memref<512x16xf32, #tpu.memory_space<hbm>> -> memref<512x16xf32, #tpu.memory_space<hbm>>
    tpu.wait_indirect_dma semaphore(%arg16 : memref<!tpu.dma_semaphore, #tpu.memory_space<semaphore_mem>>) src(%dma_wait3A_231 : memref<512x16xf32, #tpu.memory_space<hbm>>) dst(%dma_wait3A_225 : memref<128x16xf32, #tpu.memory_space<vmem>>)
    %dma_wait3A_232 = arith.constant 1 : i32
    %dma_wait3A_233 = arith.constant 128 : i32
    %dma_wait3A_234 = arith.constant 0 : i32
    %dma_wait3A_235 = tpu.memref_slice %arg10[%dma_wait3A_233, %dma_wait3A_234] : memref<256x128xf32, #tpu.memory_space<vmem>> -> memref<128x128xf32, #tpu.memory_space<vmem>>
    %dma_wait3A_236 = arith.constant 0 : i32
    %dma_wait3A_237 = tpu.memref_slice %arg8[%dma_wait3A_232, %dma_wait3A_236] : memref<6x128xi32, #tpu.memory_space<vmem>> -> memref<1x128xi32, #tpu.memory_space<vmem>>
    %dma_wait3A_238 = tpu.memref_squeeze %dma_wait3A_237 : memref<1x128xi32, #tpu.memory_space<vmem>> -> memref<128xi32, #tpu.memory_space<vmem>>
    %dma_wait3A_239 = arith.constant 0 : i32
    %dma_wait3A_240 = arith.constant 0 : i32
    %dma_wait3A_241 = tpu.memref_slice %arg3[%dma_wait3A_239, %dma_wait3A_240] : memref<1000000x128xf32, #tpu.memory_space<hbm>> -> memref<1000000x128xf32, #tpu.memory_space<hbm>>
    tpu.wait_indirect_dma semaphore(%arg16 : memref<!tpu.dma_semaphore, #tpu.memory_space<semaphore_mem>>) src(%dma_wait3A_241 : memref<1000000x128xf32, #tpu.memory_space<hbm>>) dst(%dma_wait3A_235 : memref<128x128xf32, #tpu.memory_space<vmem>>)
    %dma_wait3A_242 = arith.constant 3 : i32
    %dma_wait3A_243 = arith.constant 128 : i32
    %dma_wait3A_244 = arith.constant 0 : i32
    %dma_wait3A_245 = tpu.memref_slice %arg12[%dma_wait3A_243, %dma_wait3A_244] : memref<256x16xf32, #tpu.memory_space<vmem>> -> memref<128x16xf32, #tpu.memory_space<vmem>>
    %dma_wait3A_246 = arith.constant 0 : i32
    %dma_wait3A_247 = tpu.memref_slice %arg8[%dma_wait3A_242, %dma_wait3A_246] : memref<6x128xi32, #tpu.memory_space<vmem>> -> memref<1x128xi32, #tpu.memory_space<vmem>>
    %dma_wait3A_248 = tpu.memref_squeeze %dma_wait3A_247 : memref<1x128xi32, #tpu.memory_space<vmem>> -> memref<128xi32, #tpu.memory_space<vmem>>
    %dma_wait3A_249 = arith.constant 0 : i32
    %dma_wait3A_250 = arith.constant 0 : i32
    %dma_wait3A_251 = tpu.memref_slice %arg4[%dma_wait3A_249, %dma_wait3A_250] : memref<512x16xf32, #tpu.memory_space<hbm>> -> memref<512x16xf32, #tpu.memory_space<hbm>>
    tpu.wait_indirect_dma semaphore(%arg16 : memref<!tpu.dma_semaphore, #tpu.memory_space<semaphore_mem>>) src(%dma_wait3A_251 : memref<512x16xf32, #tpu.memory_space<hbm>>) dst(%dma_wait3A_245 : memref<128x16xf32, #tpu.memory_space<vmem>>)
    %dma_wait3A_252 = arith.constant 5 : i32
    %dma_wait3A_253 = arith.constant 128 : i32
    %dma_wait3A_254 = arith.constant 0 : i32
    %dma_wait3A_255 = tpu.memref_slice %arg14[%dma_wait3A_253, %dma_wait3A_254] : memref<256x16xf32, #tpu.memory_space<vmem>> -> memref<128x16xf32, #tpu.memory_space<vmem>>
    %dma_wait3A_256 = arith.constant 0 : i32
    %dma_wait3A_257 = tpu.memref_slice %arg8[%dma_wait3A_252, %dma_wait3A_256] : memref<6x128xi32, #tpu.memory_space<vmem>> -> memref<1x128xi32, #tpu.memory_space<vmem>>
    %dma_wait3A_258 = tpu.memref_squeeze %dma_wait3A_257 : memref<1x128xi32, #tpu.memory_space<vmem>> -> memref<128xi32, #tpu.memory_space<vmem>>
    %dma_wait3A_259 = arith.constant 0 : i32
    %dma_wait3A_260 = arith.constant 0 : i32
    %dma_wait3A_261 = tpu.memref_slice %arg5[%dma_wait3A_259, %dma_wait3A_260] : memref<512x16xf32, #tpu.memory_space<hbm>> -> memref<512x16xf32, #tpu.memory_space<hbm>>
    tpu.wait_indirect_dma semaphore(%arg16 : memref<!tpu.dma_semaphore, #tpu.memory_space<semaphore_mem>>) src(%dma_wait3A_261 : memref<512x16xf32, #tpu.memory_space<hbm>>) dst(%dma_wait3A_255 : memref<128x16xf32, #tpu.memory_space<vmem>>)
    %mul3A_262 = arith.constant 25600 : i32
    %mul3A_263 = arith.muli %add3A, %mul3A_262 : i32
    %add3A_264 = arith.constant 0 : i32
    %add3A_265 = arith.addi %mul3A_263, %add3A_264 : i32
    %dma_wait3A_266 = arith.constant 0 : i32
    %dma_wait3A_267 = arith.constant 0 : i32
    %dma_wait3A_268 = tpu.memref_slice %arg9[%dma_wait3A_266, %dma_wait3A_267] : memref<256x128xf32, #tpu.memory_space<vmem>> -> memref<256x64xf32, #tpu.memory_space<vmem>>
    %dma_wait3A_269 = arith.constant 0 : i32
    %dma_wait3A_270 = tpu.memref_slice %arg6[%add3A_265, %dma_wait3A_269] : memref<819200x128xf32, #tpu.memory_space<hbm>> -> memref<256x64xf32, #tpu.memory_space<hbm>>
    %dma_wait3A_271 = arith.constant 0 : i32
    %dma_wait3A_272 = tpu.memref_slice %arg6[%add3A_265, %dma_wait3A_271] : memref<819200x128xf32, #tpu.memory_space<hbm>> -> memref<256x64xf32, #tpu.memory_space<hbm>>
    %dma_wait3A_273 = arith.constant 0 : i32
    %dma_wait3A_274 = arith.constant 0 : i32
    %dma_wait3A_275 = tpu.memref_slice %arg9[%dma_wait3A_273, %dma_wait3A_274] : memref<256x128xf32, #tpu.memory_space<vmem>> -> memref<256x64xf32, #tpu.memory_space<vmem>>
    tpu.wait_dma2 semaphore(%arg17 : memref<!tpu.dma_semaphore, #tpu.memory_space<semaphore_mem>>) src(%dma_wait3A_275 : memref<256x64xf32, #tpu.memory_space<vmem>>) dst(%dma_wait3A_272 : memref<256x64xf32, #tpu.memory_space<hbm>>)
    %dma_wait3A_276 = arith.constant 64 : i32
    %dma_wait3A_277 = tpu.memref_slice %arg6[%add3A_265, %dma_wait3A_276] : memref<819200x128xf32, #tpu.memory_space<hbm>> -> memref<256x16xf32, #tpu.memory_space<hbm>>
    %dma_wait3A_278 = arith.constant 64 : i32
    %dma_wait3A_279 = tpu.memref_slice %arg6[%add3A_265, %dma_wait3A_278] : memref<819200x128xf32, #tpu.memory_space<hbm>> -> memref<256x16xf32, #tpu.memory_space<hbm>>
    tpu.wait_dma2 semaphore(%arg17 : memref<!tpu.dma_semaphore, #tpu.memory_space<semaphore_mem>>) src(%arg11 : memref<256x16xf32, #tpu.memory_space<vmem>>) dst(%dma_wait3A_279 : memref<256x16xf32, #tpu.memory_space<hbm>>)
    %dma_wait3A_280 = arith.constant 80 : i32
    %dma_wait3A_281 = tpu.memref_slice %arg6[%add3A_265, %dma_wait3A_280] : memref<819200x128xf32, #tpu.memory_space<hbm>> -> memref<256x16xf32, #tpu.memory_space<hbm>>
    %dma_wait3A_282 = arith.constant 80 : i32
    %dma_wait3A_283 = tpu.memref_slice %arg6[%add3A_265, %dma_wait3A_282] : memref<819200x128xf32, #tpu.memory_space<hbm>> -> memref<256x16xf32, #tpu.memory_space<hbm>>
    tpu.wait_dma2 semaphore(%arg17 : memref<!tpu.dma_semaphore, #tpu.memory_space<semaphore_mem>>) src(%arg13 : memref<256x16xf32, #tpu.memory_space<vmem>>) dst(%dma_wait3A_283 : memref<256x16xf32, #tpu.memory_space<hbm>>)
    %mul3A_284 = arith.constant 25600 : i32
    %mul3A_285 = arith.muli %add3A, %mul3A_284 : i32
    %add3A_286 = arith.constant 256 : i32
    %add3A_287 = arith.addi %mul3A_285, %add3A_286 : i32
    %dma_start3A_288 = arith.constant 0 : i32
    %dma_start3A_289 = arith.constant 0 : i32
    %dma_start3A_290 = tpu.memref_slice %arg10[%dma_start3A_288, %dma_start3A_289] : memref<256x128xf32, #tpu.memory_space<vmem>> -> memref<256x64xf32, #tpu.memory_space<vmem>>
    %dma_start3A_291 = arith.constant 0 : i32
    %dma_start3A_292 = tpu.memref_slice %arg6[%add3A_287, %dma_start3A_291] : memref<819200x128xf32, #tpu.memory_space<hbm>> -> memref<256x64xf32, #tpu.memory_space<hbm>>
    %dma_start3A_293 = arith.constant 0 : i32
    %dma_start3A_294 = tpu.memref_slice %arg6[%add3A_287, %dma_start3A_293] : memref<819200x128xf32, #tpu.memory_space<hbm>> -> memref<256x64xf32, #tpu.memory_space<hbm>>
    %dma_start3A_295 = arith.constant 0 : i32
    %dma_start3A_296 = arith.constant 0 : i32
    %dma_start3A_297 = tpu.memref_slice %arg10[%dma_start3A_295, %dma_start3A_296] : memref<256x128xf32, #tpu.memory_space<vmem>> -> memref<256x64xf32, #tpu.memory_space<vmem>>
    tpu.enqueue_dma source(%dma_start3A_297 : memref<256x64xf32, #tpu.memory_space<vmem>>) target(%dma_start3A_294 : memref<256x64xf32, #tpu.memory_space<hbm>>) target_semaphore(%arg18 : memref<!tpu.dma_semaphore, #tpu.memory_space<semaphore_mem>>)
    %dma_start3A_298 = arith.constant 64 : i32
    %dma_start3A_299 = tpu.memref_slice %arg6[%add3A_287, %dma_start3A_298] : memref<819200x128xf32, #tpu.memory_space<hbm>> -> memref<256x16xf32, #tpu.memory_space<hbm>>
    %dma_start3A_300 = arith.constant 64 : i32
    %dma_start3A_301 = tpu.memref_slice %arg6[%add3A_287, %dma_start3A_300] : memref<819200x128xf32, #tpu.memory_space<hbm>> -> memref<256x16xf32, #tpu.memory_space<hbm>>
    tpu.enqueue_dma source(%arg12 : memref<256x16xf32, #tpu.memory_space<vmem>>) target(%dma_start3A_301 : memref<256x16xf32, #tpu.memory_space<hbm>>) target_semaphore(%arg18 : memref<!tpu.dma_semaphore, #tpu.memory_space<semaphore_mem>>)
    %dma_start3A_302 = arith.constant 80 : i32
    %dma_start3A_303 = tpu.memref_slice %arg6[%add3A_287, %dma_start3A_302] : memref<819200x128xf32, #tpu.memory_space<hbm>> -> memref<256x16xf32, #tpu.memory_space<hbm>>
    %dma_start3A_304 = arith.constant 80 : i32
    %dma_start3A_305 = tpu.memref_slice %arg6[%add3A_287, %dma_start3A_304] : memref<819200x128xf32, #tpu.memory_space<hbm>> -> memref<256x16xf32, #tpu.memory_space<hbm>>
    tpu.enqueue_dma source(%arg14 : memref<256x16xf32, #tpu.memory_space<vmem>>) target(%dma_start3A_305 : memref<256x16xf32, #tpu.memory_space<hbm>>) target_semaphore(%arg18 : memref<!tpu.dma_semaphore, #tpu.memory_space<semaphore_mem>>)
    %run_scoped3A_306 = arith.constant 2 : i32
    "tpu.region"() ({
      %run_scoped3A_662 = tpu.sem_alloc : memref<!tpu.dma_semaphore, #tpu.memory_space<semaphore_mem>>
      %dma_start3A_663 = arith.constant 0 : i32
      %dma_start3A_664 = arith.constant 0 : i32
      %dma_start3A_665 = tpu.memref_slice %arg2[%add3A, %run_scoped3A_306, %dma_start3A_663, %dma_start3A_664] : memref<32x100x6x128xi32, #tpu.memory_space<hbm>> -> memref<1x1x6x128xi32, #tpu.memory_space<hbm>>
      %dma_start3A_666 = tpu.memref_squeeze %dma_start3A_665 : memref<1x1x6x128xi32, #tpu.memory_space<hbm>> -> memref<6x128xi32, #tpu.memory_space<hbm>>
      %dma_start3A_667 = arith.constant 0 : i32
      %dma_start3A_668 = arith.constant 0 : i32
      %dma_start3A_669 = tpu.memref_slice %arg2[%add3A, %run_scoped3A_306, %dma_start3A_667, %dma_start3A_668] : memref<32x100x6x128xi32, #tpu.memory_space<hbm>> -> memref<1x1x6x128xi32, #tpu.memory_space<hbm>>
      %dma_start3A_670 = tpu.memref_squeeze %dma_start3A_669 : memref<1x1x6x128xi32, #tpu.memory_space<hbm>> -> memref<6x128xi32, #tpu.memory_space<hbm>>
      tpu.enqueue_dma source(%dma_start3A_670 : memref<6x128xi32, #tpu.memory_space<hbm>>) target(%arg7 : memref<6x128xi32, #tpu.memory_space<vmem>>) target_semaphore(%run_scoped3A_662 : memref<!tpu.dma_semaphore, #tpu.memory_space<semaphore_mem>>)
      %dma_wait3A_671 = arith.constant 0 : i32
      %dma_wait3A_672 = arith.constant 0 : i32
      %dma_wait3A_673 = tpu.memref_slice %arg2[%add3A, %run_scoped3A_306, %dma_wait3A_671, %dma_wait3A_672] : memref<32x100x6x128xi32, #tpu.memory_space<hbm>> -> memref<1x1x6x128xi32, #tpu.memory_space<hbm>>
      %dma_wait3A_674 = tpu.memref_squeeze %dma_wait3A_673 : memref<1x1x6x128xi32, #tpu.memory_space<hbm>> -> memref<6x128xi32, #tpu.memory_space<hbm>>
      %dma_wait3A_675 = arith.constant 0 : i32
      %dma_wait3A_676 = arith.constant 0 : i32
      %dma_wait3A_677 = tpu.memref_slice %arg2[%add3A, %run_scoped3A_306, %dma_wait3A_675, %dma_wait3A_676] : memref<32x100x6x128xi32, #tpu.memory_space<hbm>> -> memref<1x1x6x128xi32, #tpu.memory_space<hbm>>
      %dma_wait3A_678 = tpu.memref_squeeze %dma_wait3A_677 : memref<1x1x6x128xi32, #tpu.memory_space<hbm>> -> memref<6x128xi32, #tpu.memory_space<hbm>>
      tpu.wait_dma2 semaphore(%run_scoped3A_662 : memref<!tpu.dma_semaphore, #tpu.memory_space<semaphore_mem>>) src(%dma_wait3A_678 : memref<6x128xi32, #tpu.memory_space<hbm>>) dst(%arg7 : memref<6x128xi32, #tpu.memory_space<vmem>>)
      tpu.yield
    }) : () -> ()
    %dma_start3A_307 = arith.constant 0 : i32
    %dma_start3A_308 = arith.constant 0 : i32
    %dma_start3A_309 = arith.constant 0 : i32
    %dma_start3A_310 = tpu.memref_slice %arg9[%dma_start3A_308, %dma_start3A_309] : memref<256x128xf32, #tpu.memory_space<vmem>> -> memref<128x128xf32, #tpu.memory_space<vmem>>
    %dma_start3A_311 = arith.constant 0 : i32
    %dma_start3A_312 = tpu.memref_slice %arg7[%dma_start3A_307, %dma_start3A_311] : memref<6x128xi32, #tpu.memory_space<vmem>> -> memref<1x128xi32, #tpu.memory_space<vmem>>
    %dma_start3A_313 = tpu.memref_squeeze %dma_start3A_312 : memref<1x128xi32, #tpu.memory_space<vmem>> -> memref<128xi32, #tpu.memory_space<vmem>>
    %dma_start3A_314 = arith.constant 0 : i32
    %dma_start3A_315 = arith.constant 0 : i32
    %dma_start3A_316 = tpu.memref_slice %arg3[%dma_start3A_314, %dma_start3A_315] : memref<1000000x128xf32, #tpu.memory_space<hbm>> -> memref<1000000x128xf32, #tpu.memory_space<hbm>>
    tpu.enqueue_indirect_dma source(%dma_start3A_316 : memref<1000000x128xf32, #tpu.memory_space<hbm>>) target(%dma_start3A_310 : memref<128x128xf32, #tpu.memory_space<vmem>>) offsets(%dma_start3A_313 : memref<128xi32, #tpu.memory_space<vmem>>) semaphore(%arg15 : memref<!tpu.dma_semaphore, #tpu.memory_space<semaphore_mem>>)
    %dma_start3A_317 = arith.constant 2 : i32
    %dma_start3A_318 = arith.constant 0 : i32
    %dma_start3A_319 = arith.constant 0 : i32
    %dma_start3A_320 = tpu.memref_slice %arg11[%dma_start3A_318, %dma_start3A_319] : memref<256x16xf32, #tpu.memory_space<vmem>> -> memref<128x16xf32, #tpu.memory_space<vmem>>
    %dma_start3A_321 = arith.constant 0 : i32
    %dma_start3A_322 = tpu.memref_slice %arg7[%dma_start3A_317, %dma_start3A_321] : memref<6x128xi32, #tpu.memory_space<vmem>> -> memref<1x128xi32, #tpu.memory_space<vmem>>
    %dma_start3A_323 = tpu.memref_squeeze %dma_start3A_322 : memref<1x128xi32, #tpu.memory_space<vmem>> -> memref<128xi32, #tpu.memory_space<vmem>>
    %dma_start3A_324 = arith.constant 0 : i32
    %dma_start3A_325 = arith.constant 0 : i32
    %dma_start3A_326 = tpu.memref_slice %arg4[%dma_start3A_324, %dma_start3A_325] : memref<512x16xf32, #tpu.memory_space<hbm>> -> memref<512x16xf32, #tpu.memory_space<hbm>>
    tpu.enqueue_indirect_dma source(%dma_start3A_326 : memref<512x16xf32, #tpu.memory_space<hbm>>) target(%dma_start3A_320 : memref<128x16xf32, #tpu.memory_space<vmem>>) offsets(%dma_start3A_323 : memref<128xi32, #tpu.memory_space<vmem>>) semaphore(%arg15 : memref<!tpu.dma_semaphore, #tpu.memory_space<semaphore_mem>>)
    %dma_start3A_327 = arith.constant 4 : i32
    %dma_start3A_328 = arith.constant 0 : i32
    %dma_start3A_329 = arith.constant 0 : i32
    %dma_start3A_330 = tpu.memref_slice %arg13[%dma_start3A_328, %dma_start3A_329] : memref<256x16xf32, #tpu.memory_space<vmem>> -> memref<128x16xf32, #tpu.memory_space<vmem>>
    %dma_start3A_331 = arith.constant 0 : i32
    %dma_start3A_332 = tpu.memref_slice %arg7[%dma_start3A_327, %dma_start3A_331] : memref<6x128xi32, #tpu.memory_space<vmem>> -> memref<1x128xi32, #tpu.memory_space<vmem>>
    %dma_start3A_333 = tpu.memref_squeeze %dma_start3A_332 : memref<1x128xi32, #tpu.memory_space<vmem>> -> memref<128xi32, #tpu.memory_space<vmem>>
    %dma_start3A_334 = arith.constant 0 : i32
    %dma_start3A_335 = arith.constant 0 : i32
    %dma_start3A_336 = tpu.memref_slice %arg5[%dma_start3A_334, %dma_start3A_335] : memref<512x16xf32, #tpu.memory_space<hbm>> -> memref<512x16xf32, #tpu.memory_space<hbm>>
    tpu.enqueue_indirect_dma source(%dma_start3A_336 : memref<512x16xf32, #tpu.memory_space<hbm>>) target(%dma_start3A_330 : memref<128x16xf32, #tpu.memory_space<vmem>>) offsets(%dma_start3A_333 : memref<128xi32, #tpu.memory_space<vmem>>) semaphore(%arg15 : memref<!tpu.dma_semaphore, #tpu.memory_space<semaphore_mem>>)
    %dma_start3A_337 = arith.constant 1 : i32
    %dma_start3A_338 = arith.constant 128 : i32
    %dma_start3A_339 = arith.constant 0 : i32
    %dma_start3A_340 = tpu.memref_slice %arg9[%dma_start3A_338, %dma_start3A_339] : memref<256x128xf32, #tpu.memory_space<vmem>> -> memref<128x128xf32, #tpu.memory_space<vmem>>
    %dma_start3A_341 = arith.constant 0 : i32
    %dma_start3A_342 = tpu.memref_slice %arg7[%dma_start3A_337, %dma_start3A_341] : memref<6x128xi32, #tpu.memory_space<vmem>> -> memref<1x128xi32, #tpu.memory_space<vmem>>
    %dma_start3A_343 = tpu.memref_squeeze %dma_start3A_342 : memref<1x128xi32, #tpu.memory_space<vmem>> -> memref<128xi32, #tpu.memory_space<vmem>>
    %dma_start3A_344 = arith.constant 0 : i32
    %dma_start3A_345 = arith.constant 0 : i32
    %dma_start3A_346 = tpu.memref_slice %arg3[%dma_start3A_344, %dma_start3A_345] : memref<1000000x128xf32, #tpu.memory_space<hbm>> -> memref<1000000x128xf32, #tpu.memory_space<hbm>>
    tpu.enqueue_indirect_dma source(%dma_start3A_346 : memref<1000000x128xf32, #tpu.memory_space<hbm>>) target(%dma_start3A_340 : memref<128x128xf32, #tpu.memory_space<vmem>>) offsets(%dma_start3A_343 : memref<128xi32, #tpu.memory_space<vmem>>) semaphore(%arg15 : memref<!tpu.dma_semaphore, #tpu.memory_space<semaphore_mem>>)
    %dma_start3A_347 = arith.constant 3 : i32
    %dma_start3A_348 = arith.constant 128 : i32
    %dma_start3A_349 = arith.constant 0 : i32
    %dma_start3A_350 = tpu.memref_slice %arg11[%dma_start3A_348, %dma_start3A_349] : memref<256x16xf32, #tpu.memory_space<vmem>> -> memref<128x16xf32, #tpu.memory_space<vmem>>
    %dma_start3A_351 = arith.constant 0 : i32
    %dma_start3A_352 = tpu.memref_slice %arg7[%dma_start3A_347, %dma_start3A_351] : memref<6x128xi32, #tpu.memory_space<vmem>> -> memref<1x128xi32, #tpu.memory_space<vmem>>
    %dma_start3A_353 = tpu.memref_squeeze %dma_start3A_352 : memref<1x128xi32, #tpu.memory_space<vmem>> -> memref<128xi32, #tpu.memory_space<vmem>>
    %dma_start3A_354 = arith.constant 0 : i32
    %dma_start3A_355 = arith.constant 0 : i32
    %dma_start3A_356 = tpu.memref_slice %arg4[%dma_start3A_354, %dma_start3A_355] : memref<512x16xf32, #tpu.memory_space<hbm>> -> memref<512x16xf32, #tpu.memory_space<hbm>>
    tpu.enqueue_indirect_dma source(%dma_start3A_356 : memref<512x16xf32, #tpu.memory_space<hbm>>) target(%dma_start3A_350 : memref<128x16xf32, #tpu.memory_space<vmem>>) offsets(%dma_start3A_353 : memref<128xi32, #tpu.memory_space<vmem>>) semaphore(%arg15 : memref<!tpu.dma_semaphore, #tpu.memory_space<semaphore_mem>>)
    %dma_start3A_357 = arith.constant 5 : i32
    %dma_start3A_358 = arith.constant 128 : i32
    %dma_start3A_359 = arith.constant 0 : i32
    %dma_start3A_360 = tpu.memref_slice %arg13[%dma_start3A_358, %dma_start3A_359] : memref<256x16xf32, #tpu.memory_space<vmem>> -> memref<128x16xf32, #tpu.memory_space<vmem>>
    %dma_start3A_361 = arith.constant 0 : i32
    %dma_start3A_362 = tpu.memref_slice %arg7[%dma_start3A_357, %dma_start3A_361] : memref<6x128xi32, #tpu.memory_space<vmem>> -> memref<1x128xi32, #tpu.memory_space<vmem>>
    %dma_start3A_363 = tpu.memref_squeeze %dma_start3A_362 : memref<1x128xi32, #tpu.memory_space<vmem>> -> memref<128xi32, #tpu.memory_space<vmem>>
    %dma_start3A_364 = arith.constant 0 : i32
    %dma_start3A_365 = arith.constant 0 : i32
    %dma_start3A_366 = tpu.memref_slice %arg5[%dma_start3A_364, %dma_start3A_365] : memref<512x16xf32, #tpu.memory_space<hbm>> -> memref<512x16xf32, #tpu.memory_space<hbm>>
    tpu.enqueue_indirect_dma source(%dma_start3A_366 : memref<512x16xf32, #tpu.memory_space<hbm>>) target(%dma_start3A_360 : memref<128x16xf32, #tpu.memory_space<vmem>>) offsets(%dma_start3A_363 : memref<128xi32, #tpu.memory_space<vmem>>) semaphore(%arg15 : memref<!tpu.dma_semaphore, #tpu.memory_space<semaphore_mem>>)
    %scan3A = arith.constant 0 : i32
    %scan3A_367 = arith.constant 48 : i32
    %scan3A_368 = arith.addi %scan3A, %scan3A_367 : i32
    %scan3A_369 = arith.constant 1 : i32
    scf.for %scan3A_662 = %scan3A to %scan3A_368 step %scan3A_369  : i32 {
      %mul3A_663 = arith.constant 1 : i32
      %mul3A_664 = arith.muli %scan3A_662, %mul3A_663 : i32
      %add3A_665 = arith.constant 1 : i32
      %add3A_666 = arith.addi %add3A_665, %mul3A_664 : i32
      %mul3A_667 = arith.constant 2 : i32
      %mul3A_668 = arith.muli %mul3A_667, %add3A_666 : i32
      %dma_wait3A_669 = arith.constant 0 : i32
      %dma_wait3A_670 = arith.constant 0 : i32
      %dma_wait3A_671 = arith.constant 0 : i32
      %dma_wait3A_672 = tpu.memref_slice %arg9[%dma_wait3A_670, %dma_wait3A_671] : memref<256x128xf32, #tpu.memory_space<vmem>> -> memref<128x128xf32, #tpu.memory_space<vmem>>
      %dma_wait3A_673 = arith.constant 0 : i32
      %dma_wait3A_674 = tpu.memref_slice %arg7[%dma_wait3A_669, %dma_wait3A_673] : memref<6x128xi32, #tpu.memory_space<vmem>> -> memref<1x128xi32, #tpu.memory_space<vmem>>
      %dma_wait3A_675 = tpu.memref_squeeze %dma_wait3A_674 : memref<1x128xi32, #tpu.memory_space<vmem>> -> memref<128xi32, #tpu.memory_space<vmem>>
      %dma_wait3A_676 = arith.constant 0 : i32
      %dma_wait3A_677 = arith.constant 0 : i32
      %dma_wait3A_678 = tpu.memref_slice %arg3[%dma_wait3A_676, %dma_wait3A_677] : memref<1000000x128xf32, #tpu.memory_space<hbm>> -> memref<1000000x128xf32, #tpu.memory_space<hbm>>
      tpu.wait_indirect_dma semaphore(%arg15 : memref<!tpu.dma_semaphore, #tpu.memory_space<semaphore_mem>>) src(%dma_wait3A_678 : memref<1000000x128xf32, #tpu.memory_space<hbm>>) dst(%dma_wait3A_672 : memref<128x128xf32, #tpu.memory_space<vmem>>)
      %dma_wait3A_679 = arith.constant 2 : i32
      %dma_wait3A_680 = arith.constant 0 : i32
      %dma_wait3A_681 = arith.constant 0 : i32
      %dma_wait3A_682 = tpu.memref_slice %arg11[%dma_wait3A_680, %dma_wait3A_681] : memref<256x16xf32, #tpu.memory_space<vmem>> -> memref<128x16xf32, #tpu.memory_space<vmem>>
      %dma_wait3A_683 = arith.constant 0 : i32
      %dma_wait3A_684 = tpu.memref_slice %arg7[%dma_wait3A_679, %dma_wait3A_683] : memref<6x128xi32, #tpu.memory_space<vmem>> -> memref<1x128xi32, #tpu.memory_space<vmem>>
      %dma_wait3A_685 = tpu.memref_squeeze %dma_wait3A_684 : memref<1x128xi32, #tpu.memory_space<vmem>> -> memref<128xi32, #tpu.memory_space<vmem>>
      %dma_wait3A_686 = arith.constant 0 : i32
      %dma_wait3A_687 = arith.constant 0 : i32
      %dma_wait3A_688 = tpu.memref_slice %arg4[%dma_wait3A_686, %dma_wait3A_687] : memref<512x16xf32, #tpu.memory_space<hbm>> -> memref<512x16xf32, #tpu.memory_space<hbm>>
      tpu.wait_indirect_dma semaphore(%arg15 : memref<!tpu.dma_semaphore, #tpu.memory_space<semaphore_mem>>) src(%dma_wait3A_688 : memref<512x16xf32, #tpu.memory_space<hbm>>) dst(%dma_wait3A_682 : memref<128x16xf32, #tpu.memory_space<vmem>>)
      %dma_wait3A_689 = arith.constant 4 : i32
      %dma_wait3A_690 = arith.constant 0 : i32
      %dma_wait3A_691 = arith.constant 0 : i32
      %dma_wait3A_692 = tpu.memref_slice %arg13[%dma_wait3A_690, %dma_wait3A_691] : memref<256x16xf32, #tpu.memory_space<vmem>> -> memref<128x16xf32, #tpu.memory_space<vmem>>
      %dma_wait3A_693 = arith.constant 0 : i32
      %dma_wait3A_694 = tpu.memref_slice %arg7[%dma_wait3A_689, %dma_wait3A_693] : memref<6x128xi32, #tpu.memory_space<vmem>> -> memref<1x128xi32, #tpu.memory_space<vmem>>
      %dma_wait3A_695 = tpu.memref_squeeze %dma_wait3A_694 : memref<1x128xi32, #tpu.memory_space<vmem>> -> memref<128xi32, #tpu.memory_space<vmem>>
      %dma_wait3A_696 = arith.constant 0 : i32
      %dma_wait3A_697 = arith.constant 0 : i32
      %dma_wait3A_698 = tpu.memref_slice %arg5[%dma_wait3A_696, %dma_wait3A_697] : memref<512x16xf32, #tpu.memory_space<hbm>> -> memref<512x16xf32, #tpu.memory_space<hbm>>
      tpu.wait_indirect_dma semaphore(%arg15 : memref<!tpu.dma_semaphore, #tpu.memory_space<semaphore_mem>>) src(%dma_wait3A_698 : memref<512x16xf32, #tpu.memory_space<hbm>>) dst(%dma_wait3A_692 : memref<128x16xf32, #tpu.memory_space<vmem>>)
      %dma_wait3A_699 = arith.constant 1 : i32
      %dma_wait3A_700 = arith.constant 128 : i32
      %dma_wait3A_701 = arith.constant 0 : i32
      %dma_wait3A_702 = tpu.memref_slice %arg9[%dma_wait3A_700, %dma_wait3A_701] : memref<256x128xf32, #tpu.memory_space<vmem>> -> memref<128x128xf32, #tpu.memory_space<vmem>>
      %dma_wait3A_703 = arith.constant 0 : i32
      %dma_wait3A_704 = tpu.memref_slice %arg7[%dma_wait3A_699, %dma_wait3A_703] : memref<6x128xi32, #tpu.memory_space<vmem>> -> memref<1x128xi32, #tpu.memory_space<vmem>>
      %dma_wait3A_705 = tpu.memref_squeeze %dma_wait3A_704 : memref<1x128xi32, #tpu.memory_space<vmem>> -> memref<128xi32, #tpu.memory_space<vmem>>
      %dma_wait3A_706 = arith.constant 0 : i32
      %dma_wait3A_707 = arith.constant 0 : i32
      %dma_wait3A_708 = tpu.memref_slice %arg3[%dma_wait3A_706, %dma_wait3A_707] : memref<1000000x128xf32, #tpu.memory_space<hbm>> -> memref<1000000x128xf32, #tpu.memory_space<hbm>>
      tpu.wait_indirect_dma semaphore(%arg15 : memref<!tpu.dma_semaphore, #tpu.memory_space<semaphore_mem>>) src(%dma_wait3A_708 : memref<1000000x128xf32, #tpu.memory_space<hbm>>) dst(%dma_wait3A_702 : memref<128x128xf32, #tpu.memory_space<vmem>>)
      %dma_wait3A_709 = arith.constant 3 : i32
      %dma_wait3A_710 = arith.constant 128 : i32
      %dma_wait3A_711 = arith.constant 0 : i32
      %dma_wait3A_712 = tpu.memref_slice %arg11[%dma_wait3A_710, %dma_wait3A_711] : memref<256x16xf32, #tpu.memory_space<vmem>> -> memref<128x16xf32, #tpu.memory_space<vmem>>
      %dma_wait3A_713 = arith.constant 0 : i32
      %dma_wait3A_714 = tpu.memref_slice %arg7[%dma_wait3A_709, %dma_wait3A_713] : memref<6x128xi32, #tpu.memory_space<vmem>> -> memref<1x128xi32, #tpu.memory_space<vmem>>
      %dma_wait3A_715 = tpu.memref_squeeze %dma_wait3A_714 : memref<1x128xi32, #tpu.memory_space<vmem>> -> memref<128xi32, #tpu.memory_space<vmem>>
      %dma_wait3A_716 = arith.constant 0 : i32
      %dma_wait3A_717 = arith.constant 0 : i32
      %dma_wait3A_718 = tpu.memref_slice %arg4[%dma_wait3A_716, %dma_wait3A_717] : memref<512x16xf32, #tpu.memory_space<hbm>> -> memref<512x16xf32, #tpu.memory_space<hbm>>
      tpu.wait_indirect_dma semaphore(%arg15 : memref<!tpu.dma_semaphore, #tpu.memory_space<semaphore_mem>>) src(%dma_wait3A_718 : memref<512x16xf32, #tpu.memory_space<hbm>>) dst(%dma_wait3A_712 : memref<128x16xf32, #tpu.memory_space<vmem>>)
      %dma_wait3A_719 = arith.constant 5 : i32
      %dma_wait3A_720 = arith.constant 128 : i32
      %dma_wait3A_721 = arith.constant 0 : i32
      %dma_wait3A_722 = tpu.memref_slice %arg13[%dma_wait3A_720, %dma_wait3A_721] : memref<256x16xf32, #tpu.memory_space<vmem>> -> memref<128x16xf32, #tpu.memory_space<vmem>>
      %dma_wait3A_723 = arith.constant 0 : i32
      %dma_wait3A_724 = tpu.memref_slice %arg7[%dma_wait3A_719, %dma_wait3A_723] : memref<6x128xi32, #tpu.memory_space<vmem>> -> memref<1x128xi32, #tpu.memory_space<vmem>>
      %dma_wait3A_725 = tpu.memref_squeeze %dma_wait3A_724 : memref<1x128xi32, #tpu.memory_space<vmem>> -> memref<128xi32, #tpu.memory_space<vmem>>
      %dma_wait3A_726 = arith.constant 0 : i32
      %dma_wait3A_727 = arith.constant 0 : i32
      %dma_wait3A_728 = tpu.memref_slice %arg5[%dma_wait3A_726, %dma_wait3A_727] : memref<512x16xf32, #tpu.memory_space<hbm>> -> memref<512x16xf32, #tpu.memory_space<hbm>>
      tpu.wait_indirect_dma semaphore(%arg15 : memref<!tpu.dma_semaphore, #tpu.memory_space<semaphore_mem>>) src(%dma_wait3A_728 : memref<512x16xf32, #tpu.memory_space<hbm>>) dst(%dma_wait3A_722 : memref<128x16xf32, #tpu.memory_space<vmem>>)
      %mul3A_729 = arith.constant 25600 : i32
      %mul3A_730 = arith.muli %add3A, %mul3A_729 : i32
      %add3A_731 = arith.constant 0 : i32
      %add3A_732 = arith.addi %mul3A_730, %add3A_731 : i32
      %dma_wait3A_733 = arith.constant 0 : i32
      %dma_wait3A_734 = arith.constant 0 : i32
      %dma_wait3A_735 = tpu.memref_slice %arg10[%dma_wait3A_733, %dma_wait3A_734] : memref<256x128xf32, #tpu.memory_space<vmem>> -> memref<256x64xf32, #tpu.memory_space<vmem>>
      %dma_wait3A_736 = arith.constant 0 : i32
      %dma_wait3A_737 = tpu.memref_slice %arg6[%add3A_732, %dma_wait3A_736] : memref<819200x128xf32, #tpu.memory_space<hbm>> -> memref<256x64xf32, #tpu.memory_space<hbm>>
      %dma_wait3A_738 = arith.constant 0 : i32
      %dma_wait3A_739 = tpu.memref_slice %arg6[%add3A_732, %dma_wait3A_738] : memref<819200x128xf32, #tpu.memory_space<hbm>> -> memref<256x64xf32, #tpu.memory_space<hbm>>
      %dma_wait3A_740 = arith.constant 0 : i32
      %dma_wait3A_741 = arith.constant 0 : i32
      %dma_wait3A_742 = tpu.memref_slice %arg10[%dma_wait3A_740, %dma_wait3A_741] : memref<256x128xf32, #tpu.memory_space<vmem>> -> memref<256x64xf32, #tpu.memory_space<vmem>>
      tpu.wait_dma2 semaphore(%arg18 : memref<!tpu.dma_semaphore, #tpu.memory_space<semaphore_mem>>) src(%dma_wait3A_742 : memref<256x64xf32, #tpu.memory_space<vmem>>) dst(%dma_wait3A_739 : memref<256x64xf32, #tpu.memory_space<hbm>>)
      %dma_wait3A_743 = arith.constant 64 : i32
      %dma_wait3A_744 = tpu.memref_slice %arg6[%add3A_732, %dma_wait3A_743] : memref<819200x128xf32, #tpu.memory_space<hbm>> -> memref<256x16xf32, #tpu.memory_space<hbm>>
      %dma_wait3A_745 = arith.constant 64 : i32
      %dma_wait3A_746 = tpu.memref_slice %arg6[%add3A_732, %dma_wait3A_745] : memref<819200x128xf32, #tpu.memory_space<hbm>> -> memref<256x16xf32, #tpu.memory_space<hbm>>
      tpu.wait_dma2 semaphore(%arg18 : memref<!tpu.dma_semaphore, #tpu.memory_space<semaphore_mem>>) src(%arg12 : memref<256x16xf32, #tpu.memory_space<vmem>>) dst(%dma_wait3A_746 : memref<256x16xf32, #tpu.memory_space<hbm>>)
      %dma_wait3A_747 = arith.constant 80 : i32
      %dma_wait3A_748 = tpu.memref_slice %arg6[%add3A_732, %dma_wait3A_747] : memref<819200x128xf32, #tpu.memory_space<hbm>> -> memref<256x16xf32, #tpu.memory_space<hbm>>
      %dma_wait3A_749 = arith.constant 80 : i32
      %dma_wait3A_750 = tpu.memref_slice %arg6[%add3A_732, %dma_wait3A_749] : memref<819200x128xf32, #tpu.memory_space<hbm>> -> memref<256x16xf32, #tpu.memory_space<hbm>>
      tpu.wait_dma2 semaphore(%arg18 : memref<!tpu.dma_semaphore, #tpu.memory_space<semaphore_mem>>) src(%arg14 : memref<256x16xf32, #tpu.memory_space<vmem>>) dst(%dma_wait3A_750 : memref<256x16xf32, #tpu.memory_space<hbm>>)
      %mul3A_751 = arith.constant 25600 : i32
      %mul3A_752 = arith.muli %add3A, %mul3A_751 : i32
      %mul3A_753 = arith.constant 256 : i32
      %mul3A_754 = arith.muli %mul3A_668, %mul3A_753 : i32
      %add3A_755 = arith.addi %mul3A_752, %mul3A_754 : i32
      %dma_start3A_756 = arith.constant 0 : i32
      %dma_start3A_757 = arith.constant 0 : i32
      %dma_start3A_758 = tpu.memref_slice %arg9[%dma_start3A_756, %dma_start3A_757] : memref<256x128xf32, #tpu.memory_space<vmem>> -> memref<256x64xf32, #tpu.memory_space<vmem>>
      %dma_start3A_759 = arith.constant 0 : i32
      %dma_start3A_760 = tpu.memref_slice %arg6[%add3A_755, %dma_start3A_759] : memref<819200x128xf32, #tpu.memory_space<hbm>> -> memref<256x64xf32, #tpu.memory_space<hbm>>
      %dma_start3A_761 = arith.constant 0 : i32
      %dma_start3A_762 = tpu.memref_slice %arg6[%add3A_755, %dma_start3A_761] : memref<819200x128xf32, #tpu.memory_space<hbm>> -> memref<256x64xf32, #tpu.memory_space<hbm>>
      %dma_start3A_763 = arith.constant 0 : i32
      %dma_start3A_764 = arith.constant 0 : i32
      %dma_start3A_765 = tpu.memref_slice %arg9[%dma_start3A_763, %dma_start3A_764] : memref<256x128xf32, #tpu.memory_space<vmem>> -> memref<256x64xf32, #tpu.memory_space<vmem>>
      tpu.enqueue_dma source(%dma_start3A_765 : memref<256x64xf32, #tpu.memory_space<vmem>>) target(%dma_start3A_762 : memref<256x64xf32, #tpu.memory_space<hbm>>) target_semaphore(%arg17 : memref<!tpu.dma_semaphore, #tpu.memory_space<semaphore_mem>>)
      %dma_start3A_766 = arith.constant 64 : i32
      %dma_start3A_767 = tpu.memref_slice %arg6[%add3A_755, %dma_start3A_766] : memref<819200x128xf32, #tpu.memory_space<hbm>> -> memref<256x16xf32, #tpu.memory_space<hbm>>
      %dma_start3A_768 = arith.constant 64 : i32
      %dma_start3A_769 = tpu.memref_slice %arg6[%add3A_755, %dma_start3A_768] : memref<819200x128xf32, #tpu.memory_space<hbm>> -> memref<256x16xf32, #tpu.memory_space<hbm>>
      tpu.enqueue_dma source(%arg11 : memref<256x16xf32, #tpu.memory_space<vmem>>) target(%dma_start3A_769 : memref<256x16xf32, #tpu.memory_space<hbm>>) target_semaphore(%arg17 : memref<!tpu.dma_semaphore, #tpu.memory_space<semaphore_mem>>)
      %dma_start3A_770 = arith.constant 80 : i32
      %dma_start3A_771 = tpu.memref_slice %arg6[%add3A_755, %dma_start3A_770] : memref<819200x128xf32, #tpu.memory_space<hbm>> -> memref<256x16xf32, #tpu.memory_space<hbm>>
      %dma_start3A_772 = arith.constant 80 : i32
      %dma_start3A_773 = tpu.memref_slice %arg6[%add3A_755, %dma_start3A_772] : memref<819200x128xf32, #tpu.memory_space<hbm>> -> memref<256x16xf32, #tpu.memory_space<hbm>>
      tpu.enqueue_dma source(%arg13 : memref<256x16xf32, #tpu.memory_space<vmem>>) target(%dma_start3A_773 : memref<256x16xf32, #tpu.memory_space<hbm>>) target_semaphore(%arg17 : memref<!tpu.dma_semaphore, #tpu.memory_space<semaphore_mem>>)
      %add3A_774 = arith.constant 1 : i32
      %add3A_775 = arith.addi %mul3A_668, %add3A_774 : i32
      "tpu.region"() ({
        %run_scoped3A_1005 = tpu.sem_alloc : memref<!tpu.dma_semaphore, #tpu.memory_space<semaphore_mem>>
        %dma_start3A_1006 = arith.constant 0 : i32
        %dma_start3A_1007 = arith.constant 0 : i32
        %dma_start3A_1008 = tpu.memref_slice %arg2[%add3A, %add3A_775, %dma_start3A_1006, %dma_start3A_1007] : memref<32x100x6x128xi32, #tpu.memory_space<hbm>> -> memref<1x1x6x128xi32, #tpu.memory_space<hbm>>
        %dma_start3A_1009 = tpu.memref_squeeze %dma_start3A_1008 : memref<1x1x6x128xi32, #tpu.memory_space<hbm>> -> memref<6x128xi32, #tpu.memory_space<hbm>>
        %dma_start3A_1010 = arith.constant 0 : i32
        %dma_start3A_1011 = arith.constant 0 : i32
        %dma_start3A_1012 = tpu.memref_slice %arg2[%add3A, %add3A_775, %dma_start3A_1010, %dma_start3A_1011] : memref<32x100x6x128xi32, #tpu.memory_space<hbm>> -> memref<1x1x6x128xi32, #tpu.memory_space<hbm>>
        %dma_start3A_1013 = tpu.memref_squeeze %dma_start3A_1012 : memref<1x1x6x128xi32, #tpu.memory_space<hbm>> -> memref<6x128xi32, #tpu.memory_space<hbm>>
        tpu.enqueue_dma source(%dma_start3A_1013 : memref<6x128xi32, #tpu.memory_space<hbm>>) target(%arg8 : memref<6x128xi32, #tpu.memory_space<vmem>>) target_semaphore(%run_scoped3A_1005 : memref<!tpu.dma_semaphore, #tpu.memory_space<semaphore_mem>>)
        %dma_wait3A_1014 = arith.constant 0 : i32
        %dma_wait3A_1015 = arith.constant 0 : i32
        %dma_wait3A_1016 = tpu.memref_slice %arg2[%add3A, %add3A_775, %dma_wait3A_1014, %dma_wait3A_1015] : memref<32x100x6x128xi32, #tpu.memory_space<hbm>> -> memref<1x1x6x128xi32, #tpu.memory_space<hbm>>
        %dma_wait3A_1017 = tpu.memref_squeeze %dma_wait3A_1016 : memref<1x1x6x128xi32, #tpu.memory_space<hbm>> -> memref<6x128xi32, #tpu.memory_space<hbm>>
        %dma_wait3A_1018 = arith.constant 0 : i32
        %dma_wait3A_1019 = arith.constant 0 : i32
        %dma_wait3A_1020 = tpu.memref_slice %arg2[%add3A, %add3A_775, %dma_wait3A_1018, %dma_wait3A_1019] : memref<32x100x6x128xi32, #tpu.memory_space<hbm>> -> memref<1x1x6x128xi32, #tpu.memory_space<hbm>>
        %dma_wait3A_1021 = tpu.memref_squeeze %dma_wait3A_1020 : memref<1x1x6x128xi32, #tpu.memory_space<hbm>> -> memref<6x128xi32, #tpu.memory_space<hbm>>
        tpu.wait_dma2 semaphore(%run_scoped3A_1005 : memref<!tpu.dma_semaphore, #tpu.memory_space<semaphore_mem>>) src(%dma_wait3A_1021 : memref<6x128xi32, #tpu.memory_space<hbm>>) dst(%arg8 : memref<6x128xi32, #tpu.memory_space<vmem>>)
        tpu.yield
      }) : () -> ()
      %dma_start3A_776 = arith.constant 0 : i32
      %dma_start3A_777 = arith.constant 0 : i32
      %dma_start3A_778 = arith.constant 0 : i32
      %dma_start3A_779 = tpu.memref_slice %arg10[%dma_start3A_777, %dma_start3A_778] : memref<256x128xf32, #tpu.memory_space<vmem>> -> memref<128x128xf32, #tpu.memory_space<vmem>>
      %dma_start3A_780 = arith.constant 0 : i32
      %dma_start3A_781 = tpu.memref_slice %arg8[%dma_start3A_776, %dma_start3A_780] : memref<6x128xi32, #tpu.memory_space<vmem>> -> memref<1x128xi32, #tpu.memory_space<vmem>>
      %dma_start3A_782 = tpu.memref_squeeze %dma_start3A_781 : memref<1x128xi32, #tpu.memory_space<vmem>> -> memref<128xi32, #tpu.memory_space<vmem>>
      %dma_start3A_783 = arith.constant 0 : i32
      %dma_start3A_784 = arith.constant 0 : i32
      %dma_start3A_785 = tpu.memref_slice %arg3[%dma_start3A_783, %dma_start3A_784] : memref<1000000x128xf32, #tpu.memory_space<hbm>> -> memref<1000000x128xf32, #tpu.memory_space<hbm>>
      tpu.enqueue_indirect_dma source(%dma_start3A_785 : memref<1000000x128xf32, #tpu.memory_space<hbm>>) target(%dma_start3A_779 : memref<128x128xf32, #tpu.memory_space<vmem>>) offsets(%dma_start3A_782 : memref<128xi32, #tpu.memory_space<vmem>>) semaphore(%arg16 : memref<!tpu.dma_semaphore, #tpu.memory_space<semaphore_mem>>)
      %dma_start3A_786 = arith.constant 2 : i32
      %dma_start3A_787 = arith.constant 0 : i32
      %dma_start3A_788 = arith.constant 0 : i32
      %dma_start3A_789 = tpu.memref_slice %arg12[%dma_start3A_787, %dma_start3A_788] : memref<256x16xf32, #tpu.memory_space<vmem>> -> memref<128x16xf32, #tpu.memory_space<vmem>>
      %dma_start3A_790 = arith.constant 0 : i32
      %dma_start3A_791 = tpu.memref_slice %arg8[%dma_start3A_786, %dma_start3A_790] : memref<6x128xi32, #tpu.memory_space<vmem>> -> memref<1x128xi32, #tpu.memory_space<vmem>>
      %dma_start3A_792 = tpu.memref_squeeze %dma_start3A_791 : memref<1x128xi32, #tpu.memory_space<vmem>> -> memref<128xi32, #tpu.memory_space<vmem>>
      %dma_start3A_793 = arith.constant 0 : i32
      %dma_start3A_794 = arith.constant 0 : i32
      %dma_start3A_795 = tpu.memref_slice %arg4[%dma_start3A_793, %dma_start3A_794] : memref<512x16xf32, #tpu.memory_space<hbm>> -> memref<512x16xf32, #tpu.memory_space<hbm>>
      tpu.enqueue_indirect_dma source(%dma_start3A_795 : memref<512x16xf32, #tpu.memory_space<hbm>>) target(%dma_start3A_789 : memref<128x16xf32, #tpu.memory_space<vmem>>) offsets(%dma_start3A_792 : memref<128xi32, #tpu.memory_space<vmem>>) semaphore(%arg16 : memref<!tpu.dma_semaphore, #tpu.memory_space<semaphore_mem>>)
      %dma_start3A_796 = arith.constant 4 : i32
      %dma_start3A_797 = arith.constant 0 : i32
      %dma_start3A_798 = arith.constant 0 : i32
      %dma_start3A_799 = tpu.memref_slice %arg14[%dma_start3A_797, %dma_start3A_798] : memref<256x16xf32, #tpu.memory_space<vmem>> -> memref<128x16xf32, #tpu.memory_space<vmem>>
      %dma_start3A_800 = arith.constant 0 : i32
      %dma_start3A_801 = tpu.memref_slice %arg8[%dma_start3A_796, %dma_start3A_800] : memref<6x128xi32, #tpu.memory_space<vmem>> -> memref<1x128xi32, #tpu.memory_space<vmem>>
      %dma_start3A_802 = tpu.memref_squeeze %dma_start3A_801 : memref<1x128xi32, #tpu.memory_space<vmem>> -> memref<128xi32, #tpu.memory_space<vmem>>
      %dma_start3A_803 = arith.constant 0 : i32
      %dma_start3A_804 = arith.constant 0 : i32
      %dma_start3A_805 = tpu.memref_slice %arg5[%dma_start3A_803, %dma_start3A_804] : memref<512x16xf32, #tpu.memory_space<hbm>> -> memref<512x16xf32, #tpu.memory_space<hbm>>
      tpu.enqueue_indirect_dma source(%dma_start3A_805 : memref<512x16xf32, #tpu.memory_space<hbm>>) target(%dma_start3A_799 : memref<128x16xf32, #tpu.memory_space<vmem>>) offsets(%dma_start3A_802 : memref<128xi32, #tpu.memory_space<vmem>>) semaphore(%arg16 : memref<!tpu.dma_semaphore, #tpu.memory_space<semaphore_mem>>)
      %dma_start3A_806 = arith.constant 1 : i32
      %dma_start3A_807 = arith.constant 128 : i32
      %dma_start3A_808 = arith.constant 0 : i32
      %dma_start3A_809 = tpu.memref_slice %arg10[%dma_start3A_807, %dma_start3A_808] : memref<256x128xf32, #tpu.memory_space<vmem>> -> memref<128x128xf32, #tpu.memory_space<vmem>>
      %dma_start3A_810 = arith.constant 0 : i32
      %dma_start3A_811 = tpu.memref_slice %arg8[%dma_start3A_806, %dma_start3A_810] : memref<6x128xi32, #tpu.memory_space<vmem>> -> memref<1x128xi32, #tpu.memory_space<vmem>>
      %dma_start3A_812 = tpu.memref_squeeze %dma_start3A_811 : memref<1x128xi32, #tpu.memory_space<vmem>> -> memref<128xi32, #tpu.memory_space<vmem>>
      %dma_start3A_813 = arith.constant 0 : i32
      %dma_start3A_814 = arith.constant 0 : i32
      %dma_start3A_815 = tpu.memref_slice %arg3[%dma_start3A_813, %dma_start3A_814] : memref<1000000x128xf32, #tpu.memory_space<hbm>> -> memref<1000000x128xf32, #tpu.memory_space<hbm>>
      tpu.enqueue_indirect_dma source(%dma_start3A_815 : memref<1000000x128xf32, #tpu.memory_space<hbm>>) target(%dma_start3A_809 : memref<128x128xf32, #tpu.memory_space<vmem>>) offsets(%dma_start3A_812 : memref<128xi32, #tpu.memory_space<vmem>>) semaphore(%arg16 : memref<!tpu.dma_semaphore, #tpu.memory_space<semaphore_mem>>)
      %dma_start3A_816 = arith.constant 3 : i32
      %dma_start3A_817 = arith.constant 128 : i32
      %dma_start3A_818 = arith.constant 0 : i32
      %dma_start3A_819 = tpu.memref_slice %arg12[%dma_start3A_817, %dma_start3A_818] : memref<256x16xf32, #tpu.memory_space<vmem>> -> memref<128x16xf32, #tpu.memory_space<vmem>>
      %dma_start3A_820 = arith.constant 0 : i32
      %dma_start3A_821 = tpu.memref_slice %arg8[%dma_start3A_816, %dma_start3A_820] : memref<6x128xi32, #tpu.memory_space<vmem>> -> memref<1x128xi32, #tpu.memory_space<vmem>>
      %dma_start3A_822 = tpu.memref_squeeze %dma_start3A_821 : memref<1x128xi32, #tpu.memory_space<vmem>> -> memref<128xi32, #tpu.memory_space<vmem>>
      %dma_start3A_823 = arith.constant 0 : i32
      %dma_start3A_824 = arith.constant 0 : i32
      %dma_start3A_825 = tpu.memref_slice %arg4[%dma_start3A_823, %dma_start3A_824] : memref<512x16xf32, #tpu.memory_space<hbm>> -> memref<512x16xf32, #tpu.memory_space<hbm>>
      tpu.enqueue_indirect_dma source(%dma_start3A_825 : memref<512x16xf32, #tpu.memory_space<hbm>>) target(%dma_start3A_819 : memref<128x16xf32, #tpu.memory_space<vmem>>) offsets(%dma_start3A_822 : memref<128xi32, #tpu.memory_space<vmem>>) semaphore(%arg16 : memref<!tpu.dma_semaphore, #tpu.memory_space<semaphore_mem>>)
      %dma_start3A_826 = arith.constant 5 : i32
      %dma_start3A_827 = arith.constant 128 : i32
      %dma_start3A_828 = arith.constant 0 : i32
      %dma_start3A_829 = tpu.memref_slice %arg14[%dma_start3A_827, %dma_start3A_828] : memref<256x16xf32, #tpu.memory_space<vmem>> -> memref<128x16xf32, #tpu.memory_space<vmem>>
      %dma_start3A_830 = arith.constant 0 : i32
      %dma_start3A_831 = tpu.memref_slice %arg8[%dma_start3A_826, %dma_start3A_830] : memref<6x128xi32, #tpu.memory_space<vmem>> -> memref<1x128xi32, #tpu.memory_space<vmem>>
      %dma_start3A_832 = tpu.memref_squeeze %dma_start3A_831 : memref<1x128xi32, #tpu.memory_space<vmem>> -> memref<128xi32, #tpu.memory_space<vmem>>
      %dma_start3A_833 = arith.constant 0 : i32
      %dma_start3A_834 = arith.constant 0 : i32
      %dma_start3A_835 = tpu.memref_slice %arg5[%dma_start3A_833, %dma_start3A_834] : memref<512x16xf32, #tpu.memory_space<hbm>> -> memref<512x16xf32, #tpu.memory_space<hbm>>
      tpu.enqueue_indirect_dma source(%dma_start3A_835 : memref<512x16xf32, #tpu.memory_space<hbm>>) target(%dma_start3A_829 : memref<128x16xf32, #tpu.memory_space<vmem>>) offsets(%dma_start3A_832 : memref<128xi32, #tpu.memory_space<vmem>>) semaphore(%arg16 : memref<!tpu.dma_semaphore, #tpu.memory_space<semaphore_mem>>)
      %add3A_836 = arith.constant 1 : i32
      %add3A_837 = arith.addi %mul3A_668, %add3A_836 : i32
      %dma_wait3A_838 = arith.constant 0 : i32
      %dma_wait3A_839 = arith.constant 0 : i32
      %dma_wait3A_840 = arith.constant 0 : i32
      %dma_wait3A_841 = tpu.memref_slice %arg10[%dma_wait3A_839, %dma_wait3A_840] : memref<256x128xf32, #tpu.memory_space<vmem>> -> memref<128x128xf32, #tpu.memory_space<vmem>>
      %dma_wait3A_842 = arith.constant 0 : i32
      %dma_wait3A_843 = tpu.memref_slice %arg8[%dma_wait3A_838, %dma_wait3A_842] : memref<6x128xi32, #tpu.memory_space<vmem>> -> memref<1x128xi32, #tpu.memory_space<vmem>>
      %dma_wait3A_844 = tpu.memref_squeeze %dma_wait3A_843 : memref<1x128xi32, #tpu.memory_space<vmem>> -> memref<128xi32, #tpu.memory_space<vmem>>
      %dma_wait3A_845 = arith.constant 0 : i32
      %dma_wait3A_846 = arith.constant 0 : i32
      %dma_wait3A_847 = tpu.memref_slice %arg3[%dma_wait3A_845, %dma_wait3A_846] : memref<1000000x128xf32, #tpu.memory_space<hbm>> -> memref<1000000x128xf32, #tpu.memory_space<hbm>>
      tpu.wait_indirect_dma semaphore(%arg16 : memref<!tpu.dma_semaphore, #tpu.memory_space<semaphore_mem>>) src(%dma_wait3A_847 : memref<1000000x128xf32, #tpu.memory_space<hbm>>) dst(%dma_wait3A_841 : memref<128x128xf32, #tpu.memory_space<vmem>>)
      %dma_wait3A_848 = arith.constant 2 : i32
      %dma_wait3A_849 = arith.constant 0 : i32
      %dma_wait3A_850 = arith.constant 0 : i32
      %dma_wait3A_851 = tpu.memref_slice %arg12[%dma_wait3A_849, %dma_wait3A_850] : memref<256x16xf32, #tpu.memory_space<vmem>> -> memref<128x16xf32, #tpu.memory_space<vmem>>
      %dma_wait3A_852 = arith.constant 0 : i32
      %dma_wait3A_853 = tpu.memref_slice %arg8[%dma_wait3A_848, %dma_wait3A_852] : memref<6x128xi32, #tpu.memory_space<vmem>> -> memref<1x128xi32, #tpu.memory_space<vmem>>
      %dma_wait3A_854 = tpu.memref_squeeze %dma_wait3A_853 : memref<1x128xi32, #tpu.memory_space<vmem>> -> memref<128xi32, #tpu.memory_space<vmem>>
      %dma_wait3A_855 = arith.constant 0 : i32
      %dma_wait3A_856 = arith.constant 0 : i32
      %dma_wait3A_857 = tpu.memref_slice %arg4[%dma_wait3A_855, %dma_wait3A_856] : memref<512x16xf32, #tpu.memory_space<hbm>> -> memref<512x16xf32, #tpu.memory_space<hbm>>
      tpu.wait_indirect_dma semaphore(%arg16 : memref<!tpu.dma_semaphore, #tpu.memory_space<semaphore_mem>>) src(%dma_wait3A_857 : memref<512x16xf32, #tpu.memory_space<hbm>>) dst(%dma_wait3A_851 : memref<128x16xf32, #tpu.memory_space<vmem>>)
      %dma_wait3A_858 = arith.constant 4 : i32
      %dma_wait3A_859 = arith.constant 0 : i32
      %dma_wait3A_860 = arith.constant 0 : i32
      %dma_wait3A_861 = tpu.memref_slice %arg14[%dma_wait3A_859, %dma_wait3A_860] : memref<256x16xf32, #tpu.memory_space<vmem>> -> memref<128x16xf32, #tpu.memory_space<vmem>>
      %dma_wait3A_862 = arith.constant 0 : i32
      %dma_wait3A_863 = tpu.memref_slice %arg8[%dma_wait3A_858, %dma_wait3A_862] : memref<6x128xi32, #tpu.memory_space<vmem>> -> memref<1x128xi32, #tpu.memory_space<vmem>>
      %dma_wait3A_864 = tpu.memref_squeeze %dma_wait3A_863 : memref<1x128xi32, #tpu.memory_space<vmem>> -> memref<128xi32, #tpu.memory_space<vmem>>
      %dma_wait3A_865 = arith.constant 0 : i32
      %dma_wait3A_866 = arith.constant 0 : i32
      %dma_wait3A_867 = tpu.memref_slice %arg5[%dma_wait3A_865, %dma_wait3A_866] : memref<512x16xf32, #tpu.memory_space<hbm>> -> memref<512x16xf32, #tpu.memory_space<hbm>>
      tpu.wait_indirect_dma semaphore(%arg16 : memref<!tpu.dma_semaphore, #tpu.memory_space<semaphore_mem>>) src(%dma_wait3A_867 : memref<512x16xf32, #tpu.memory_space<hbm>>) dst(%dma_wait3A_861 : memref<128x16xf32, #tpu.memory_space<vmem>>)
      %dma_wait3A_868 = arith.constant 1 : i32
      %dma_wait3A_869 = arith.constant 128 : i32
      %dma_wait3A_870 = arith.constant 0 : i32
      %dma_wait3A_871 = tpu.memref_slice %arg10[%dma_wait3A_869, %dma_wait3A_870] : memref<256x128xf32, #tpu.memory_space<vmem>> -> memref<128x128xf32, #tpu.memory_space<vmem>>
      %dma_wait3A_872 = arith.constant 0 : i32
      %dma_wait3A_873 = tpu.memref_slice %arg8[%dma_wait3A_868, %dma_wait3A_872] : memref<6x128xi32, #tpu.memory_space<vmem>> -> memref<1x128xi32, #tpu.memory_space<vmem>>
      %dma_wait3A_874 = tpu.memref_squeeze %dma_wait3A_873 : memref<1x128xi32, #tpu.memory_space<vmem>> -> memref<128xi32, #tpu.memory_space<vmem>>
      %dma_wait3A_875 = arith.constant 0 : i32
      %dma_wait3A_876 = arith.constant 0 : i32
      %dma_wait3A_877 = tpu.memref_slice %arg3[%dma_wait3A_875, %dma_wait3A_876] : memref<1000000x128xf32, #tpu.memory_space<hbm>> -> memref<1000000x128xf32, #tpu.memory_space<hbm>>
      tpu.wait_indirect_dma semaphore(%arg16 : memref<!tpu.dma_semaphore, #tpu.memory_space<semaphore_mem>>) src(%dma_wait3A_877 : memref<1000000x128xf32, #tpu.memory_space<hbm>>) dst(%dma_wait3A_871 : memref<128x128xf32, #tpu.memory_space<vmem>>)
      %dma_wait3A_878 = arith.constant 3 : i32
      %dma_wait3A_879 = arith.constant 128 : i32
      %dma_wait3A_880 = arith.constant 0 : i32
      %dma_wait3A_881 = tpu.memref_slice %arg12[%dma_wait3A_879, %dma_wait3A_880] : memref<256x16xf32, #tpu.memory_space<vmem>> -> memref<128x16xf32, #tpu.memory_space<vmem>>
      %dma_wait3A_882 = arith.constant 0 : i32
      %dma_wait3A_883 = tpu.memref_slice %arg8[%dma_wait3A_878, %dma_wait3A_882] : memref<6x128xi32, #tpu.memory_space<vmem>> -> memref<1x128xi32, #tpu.memory_space<vmem>>
      %dma_wait3A_884 = tpu.memref_squeeze %dma_wait3A_883 : memref<1x128xi32, #tpu.memory_space<vmem>> -> memref<128xi32, #tpu.memory_space<vmem>>
      %dma_wait3A_885 = arith.constant 0 : i32
      %dma_wait3A_886 = arith.constant 0 : i32
      %dma_wait3A_887 = tpu.memref_slice %arg4[%dma_wait3A_885, %dma_wait3A_886] : memref<512x16xf32, #tpu.memory_space<hbm>> -> memref<512x16xf32, #tpu.memory_space<hbm>>
      tpu.wait_indirect_dma semaphore(%arg16 : memref<!tpu.dma_semaphore, #tpu.memory_space<semaphore_mem>>) src(%dma_wait3A_887 : memref<512x16xf32, #tpu.memory_space<hbm>>) dst(%dma_wait3A_881 : memref<128x16xf32, #tpu.memory_space<vmem>>)
      %dma_wait3A_888 = arith.constant 5 : i32
      %dma_wait3A_889 = arith.constant 128 : i32
      %dma_wait3A_890 = arith.constant 0 : i32
      %dma_wait3A_891 = tpu.memref_slice %arg14[%dma_wait3A_889, %dma_wait3A_890] : memref<256x16xf32, #tpu.memory_space<vmem>> -> memref<128x16xf32, #tpu.memory_space<vmem>>
      %dma_wait3A_892 = arith.constant 0 : i32
      %dma_wait3A_893 = tpu.memref_slice %arg8[%dma_wait3A_888, %dma_wait3A_892] : memref<6x128xi32, #tpu.memory_space<vmem>> -> memref<1x128xi32, #tpu.memory_space<vmem>>
      %dma_wait3A_894 = tpu.memref_squeeze %dma_wait3A_893 : memref<1x128xi32, #tpu.memory_space<vmem>> -> memref<128xi32, #tpu.memory_space<vmem>>
      %dma_wait3A_895 = arith.constant 0 : i32
      %dma_wait3A_896 = arith.constant 0 : i32
      %dma_wait3A_897 = tpu.memref_slice %arg5[%dma_wait3A_895, %dma_wait3A_896] : memref<512x16xf32, #tpu.memory_space<hbm>> -> memref<512x16xf32, #tpu.memory_space<hbm>>
      tpu.wait_indirect_dma semaphore(%arg16 : memref<!tpu.dma_semaphore, #tpu.memory_space<semaphore_mem>>) src(%dma_wait3A_897 : memref<512x16xf32, #tpu.memory_space<hbm>>) dst(%dma_wait3A_891 : memref<128x16xf32, #tpu.memory_space<vmem>>)
      %mul3A_898 = arith.constant 25600 : i32
      %mul3A_899 = arith.muli %add3A, %mul3A_898 : i32
      %add3A_900 = arith.constant 0 : i32
      %add3A_901 = arith.addi %mul3A_899, %add3A_900 : i32
      %dma_wait3A_902 = arith.constant 0 : i32
      %dma_wait3A_903 = arith.constant 0 : i32
      %dma_wait3A_904 = tpu.memref_slice %arg9[%dma_wait3A_902, %dma_wait3A_903] : memref<256x128xf32, #tpu.memory_space<vmem>> -> memref<256x64xf32, #tpu.memory_space<vmem>>
      %dma_wait3A_905 = arith.constant 0 : i32
      %dma_wait3A_906 = tpu.memref_slice %arg6[%add3A_901, %dma_wait3A_905] : memref<819200x128xf32, #tpu.memory_space<hbm>> -> memref<256x64xf32, #tpu.memory_space<hbm>>
      %dma_wait3A_907 = arith.constant 0 : i32
      %dma_wait3A_908 = tpu.memref_slice %arg6[%add3A_901, %dma_wait3A_907] : memref<819200x128xf32, #tpu.memory_space<hbm>> -> memref<256x64xf32, #tpu.memory_space<hbm>>
      %dma_wait3A_909 = arith.constant 0 : i32
      %dma_wait3A_910 = arith.constant 0 : i32
      %dma_wait3A_911 = tpu.memref_slice %arg9[%dma_wait3A_909, %dma_wait3A_910] : memref<256x128xf32, #tpu.memory_space<vmem>> -> memref<256x64xf32, #tpu.memory_space<vmem>>
      tpu.wait_dma2 semaphore(%arg17 : memref<!tpu.dma_semaphore, #tpu.memory_space<semaphore_mem>>) src(%dma_wait3A_911 : memref<256x64xf32, #tpu.memory_space<vmem>>) dst(%dma_wait3A_908 : memref<256x64xf32, #tpu.memory_space<hbm>>)
      %dma_wait3A_912 = arith.constant 64 : i32
      %dma_wait3A_913 = tpu.memref_slice %arg6[%add3A_901, %dma_wait3A_912] : memref<819200x128xf32, #tpu.memory_space<hbm>> -> memref<256x16xf32, #tpu.memory_space<hbm>>
      %dma_wait3A_914 = arith.constant 64 : i32
      %dma_wait3A_915 = tpu.memref_slice %arg6[%add3A_901, %dma_wait3A_914] : memref<819200x128xf32, #tpu.memory_space<hbm>> -> memref<256x16xf32, #tpu.memory_space<hbm>>
      tpu.wait_dma2 semaphore(%arg17 : memref<!tpu.dma_semaphore, #tpu.memory_space<semaphore_mem>>) src(%arg11 : memref<256x16xf32, #tpu.memory_space<vmem>>) dst(%dma_wait3A_915 : memref<256x16xf32, #tpu.memory_space<hbm>>)
      %dma_wait3A_916 = arith.constant 80 : i32
      %dma_wait3A_917 = tpu.memref_slice %arg6[%add3A_901, %dma_wait3A_916] : memref<819200x128xf32, #tpu.memory_space<hbm>> -> memref<256x16xf32, #tpu.memory_space<hbm>>
      %dma_wait3A_918 = arith.constant 80 : i32
      %dma_wait3A_919 = tpu.memref_slice %arg6[%add3A_901, %dma_wait3A_918] : memref<819200x128xf32, #tpu.memory_space<hbm>> -> memref<256x16xf32, #tpu.memory_space<hbm>>
      tpu.wait_dma2 semaphore(%arg17 : memref<!tpu.dma_semaphore, #tpu.memory_space<semaphore_mem>>) src(%arg13 : memref<256x16xf32, #tpu.memory_space<vmem>>) dst(%dma_wait3A_919 : memref<256x16xf32, #tpu.memory_space<hbm>>)
      %mul3A_920 = arith.constant 25600 : i32
      %mul3A_921 = arith.muli %add3A, %mul3A_920 : i32
      %mul3A_922 = arith.constant 256 : i32
      %mul3A_923 = arith.muli %add3A_837, %mul3A_922 : i32
      %add3A_924 = arith.addi %mul3A_921, %mul3A_923 : i32
      %dma_start3A_925 = arith.constant 0 : i32
      %dma_start3A_926 = arith.constant 0 : i32
      %dma_start3A_927 = tpu.memref_slice %arg10[%dma_start3A_925, %dma_start3A_926] : memref<256x128xf32, #tpu.memory_space<vmem>> -> memref<256x64xf32, #tpu.memory_space<vmem>>
      %dma_start3A_928 = arith.constant 0 : i32
      %dma_start3A_929 = tpu.memref_slice %arg6[%add3A_924, %dma_start3A_928] : memref<819200x128xf32, #tpu.memory_space<hbm>> -> memref<256x64xf32, #tpu.memory_space<hbm>>
      %dma_start3A_930 = arith.constant 0 : i32
      %dma_start3A_931 = tpu.memref_slice %arg6[%add3A_924, %dma_start3A_930] : memref<819200x128xf32, #tpu.memory_space<hbm>> -> memref<256x64xf32, #tpu.memory_space<hbm>>
      %dma_start3A_932 = arith.constant 0 : i32
      %dma_start3A_933 = arith.constant 0 : i32
      %dma_start3A_934 = tpu.memref_slice %arg10[%dma_start3A_932, %dma_start3A_933] : memref<256x128xf32, #tpu.memory_space<vmem>> -> memref<256x64xf32, #tpu.memory_space<vmem>>
      tpu.enqueue_dma source(%dma_start3A_934 : memref<256x64xf32, #tpu.memory_space<vmem>>) target(%dma_start3A_931 : memref<256x64xf32, #tpu.memory_space<hbm>>) target_semaphore(%arg18 : memref<!tpu.dma_semaphore, #tpu.memory_space<semaphore_mem>>)
      %dma_start3A_935 = arith.constant 64 : i32
      %dma_start3A_936 = tpu.memref_slice %arg6[%add3A_924, %dma_start3A_935] : memref<819200x128xf32, #tpu.memory_space<hbm>> -> memref<256x16xf32, #tpu.memory_space<hbm>>
      %dma_start3A_937 = arith.constant 64 : i32
      %dma_start3A_938 = tpu.memref_slice %arg6[%add3A_924, %dma_start3A_937] : memref<819200x128xf32, #tpu.memory_space<hbm>> -> memref<256x16xf32, #tpu.memory_space<hbm>>
      tpu.enqueue_dma source(%arg12 : memref<256x16xf32, #tpu.memory_space<vmem>>) target(%dma_start3A_938 : memref<256x16xf32, #tpu.memory_space<hbm>>) target_semaphore(%arg18 : memref<!tpu.dma_semaphore, #tpu.memory_space<semaphore_mem>>)
      %dma_start3A_939 = arith.constant 80 : i32
      %dma_start3A_940 = tpu.memref_slice %arg6[%add3A_924, %dma_start3A_939] : memref<819200x128xf32, #tpu.memory_space<hbm>> -> memref<256x16xf32, #tpu.memory_space<hbm>>
      %dma_start3A_941 = arith.constant 80 : i32
      %dma_start3A_942 = tpu.memref_slice %arg6[%add3A_924, %dma_start3A_941] : memref<819200x128xf32, #tpu.memory_space<hbm>> -> memref<256x16xf32, #tpu.memory_space<hbm>>
      tpu.enqueue_dma source(%arg14 : memref<256x16xf32, #tpu.memory_space<vmem>>) target(%dma_start3A_942 : memref<256x16xf32, #tpu.memory_space<hbm>>) target_semaphore(%arg18 : memref<!tpu.dma_semaphore, #tpu.memory_space<semaphore_mem>>)
      %add3A_943 = arith.constant 1 : i32
      %add3A_944 = arith.addi %add3A_837, %add3A_943 : i32
      "tpu.region"() ({
        %run_scoped3A_1005 = tpu.sem_alloc : memref<!tpu.dma_semaphore, #tpu.memory_space<semaphore_mem>>
        %dma_start3A_1006 = arith.constant 0 : i32
        %dma_start3A_1007 = arith.constant 0 : i32
        %dma_start3A_1008 = tpu.memref_slice %arg2[%add3A, %add3A_944, %dma_start3A_1006, %dma_start3A_1007] : memref<32x100x6x128xi32, #tpu.memory_space<hbm>> -> memref<1x1x6x128xi32, #tpu.memory_space<hbm>>
        %dma_start3A_1009 = tpu.memref_squeeze %dma_start3A_1008 : memref<1x1x6x128xi32, #tpu.memory_space<hbm>> -> memref<6x128xi32, #tpu.memory_space<hbm>>
        %dma_start3A_1010 = arith.constant 0 : i32
        %dma_start3A_1011 = arith.constant 0 : i32
        %dma_start3A_1012 = tpu.memref_slice %arg2[%add3A, %add3A_944, %dma_start3A_1010, %dma_start3A_1011] : memref<32x100x6x128xi32, #tpu.memory_space<hbm>> -> memref<1x1x6x128xi32, #tpu.memory_space<hbm>>
        %dma_start3A_1013 = tpu.memref_squeeze %dma_start3A_1012 : memref<1x1x6x128xi32, #tpu.memory_space<hbm>> -> memref<6x128xi32, #tpu.memory_space<hbm>>
        tpu.enqueue_dma source(%dma_start3A_1013 : memref<6x128xi32, #tpu.memory_space<hbm>>) target(%arg7 : memref<6x128xi32, #tpu.memory_space<vmem>>) target_semaphore(%run_scoped3A_1005 : memref<!tpu.dma_semaphore, #tpu.memory_space<semaphore_mem>>)
        %dma_wait3A_1014 = arith.constant 0 : i32
        %dma_wait3A_1015 = arith.constant 0 : i32
        %dma_wait3A_1016 = tpu.memref_slice %arg2[%add3A, %add3A_944, %dma_wait3A_1014, %dma_wait3A_1015] : memref<32x100x6x128xi32, #tpu.memory_space<hbm>> -> memref<1x1x6x128xi32, #tpu.memory_space<hbm>>
        %dma_wait3A_1017 = tpu.memref_squeeze %dma_wait3A_1016 : memref<1x1x6x128xi32, #tpu.memory_space<hbm>> -> memref<6x128xi32, #tpu.memory_space<hbm>>
        %dma_wait3A_1018 = arith.constant 0 : i32
        %dma_wait3A_1019 = arith.constant 0 : i32
        %dma_wait3A_1020 = tpu.memref_slice %arg2[%add3A, %add3A_944, %dma_wait3A_1018, %dma_wait3A_1019] : memref<32x100x6x128xi32, #tpu.memory_space<hbm>> -> memref<1x1x6x128xi32, #tpu.memory_space<hbm>>
        %dma_wait3A_1021 = tpu.memref_squeeze %dma_wait3A_1020 : memref<1x1x6x128xi32, #tpu.memory_space<hbm>> -> memref<6x128xi32, #tpu.memory_space<hbm>>
        tpu.wait_dma2 semaphore(%run_scoped3A_1005 : memref<!tpu.dma_semaphore, #tpu.memory_space<semaphore_mem>>) src(%dma_wait3A_1021 : memref<6x128xi32, #tpu.memory_space<hbm>>) dst(%arg7 : memref<6x128xi32, #tpu.memory_space<vmem>>)
        tpu.yield
      }) : () -> ()
      %dma_start3A_945 = arith.constant 0 : i32
      %dma_start3A_946 = arith.constant 0 : i32
      %dma_start3A_947 = arith.constant 0 : i32
      %dma_start3A_948 = tpu.memref_slice %arg9[%dma_start3A_946, %dma_start3A_947] : memref<256x128xf32, #tpu.memory_space<vmem>> -> memref<128x128xf32, #tpu.memory_space<vmem>>
      %dma_start3A_949 = arith.constant 0 : i32
      %dma_start3A_950 = tpu.memref_slice %arg7[%dma_start3A_945, %dma_start3A_949] : memref<6x128xi32, #tpu.memory_space<vmem>> -> memref<1x128xi32, #tpu.memory_space<vmem>>
      %dma_start3A_951 = tpu.memref_squeeze %dma_start3A_950 : memref<1x128xi32, #tpu.memory_space<vmem>> -> memref<128xi32, #tpu.memory_space<vmem>>
      %dma_start3A_952 = arith.constant 0 : i32
      %dma_start3A_953 = arith.constant 0 : i32
      %dma_start3A_954 = tpu.memref_slice %arg3[%dma_start3A_952, %dma_start3A_953] : memref<1000000x128xf32, #tpu.memory_space<hbm>> -> memref<1000000x128xf32, #tpu.memory_space<hbm>>
      tpu.enqueue_indirect_dma source(%dma_start3A_954 : memref<1000000x128xf32, #tpu.memory_space<hbm>>) target(%dma_start3A_948 : memref<128x128xf32, #tpu.memory_space<vmem>>) offsets(%dma_start3A_951 : memref<128xi32, #tpu.memory_space<vmem>>) semaphore(%arg15 : memref<!tpu.dma_semaphore, #tpu.memory_space<semaphore_mem>>)
      %dma_start3A_955 = arith.constant 2 : i32
      %dma_start3A_956 = arith.constant 0 : i32
      %dma_start3A_957 = arith.constant 0 : i32
      %dma_start3A_958 = tpu.memref_slice %arg11[%dma_start3A_956, %dma_start3A_957] : memref<256x16xf32, #tpu.memory_space<vmem>> -> memref<128x16xf32, #tpu.memory_space<vmem>>
      %dma_start3A_959 = arith.constant 0 : i32
      %dma_start3A_960 = tpu.memref_slice %arg7[%dma_start3A_955, %dma_start3A_959] : memref<6x128xi32, #tpu.memory_space<vmem>> -> memref<1x128xi32, #tpu.memory_space<vmem>>
      %dma_start3A_961 = tpu.memref_squeeze %dma_start3A_960 : memref<1x128xi32, #tpu.memory_space<vmem>> -> memref<128xi32, #tpu.memory_space<vmem>>
      %dma_start3A_962 = arith.constant 0 : i32
      %dma_start3A_963 = arith.constant 0 : i32
      %dma_start3A_964 = tpu.memref_slice %arg4[%dma_start3A_962, %dma_start3A_963] : memref<512x16xf32, #tpu.memory_space<hbm>> -> memref<512x16xf32, #tpu.memory_space<hbm>>
      tpu.enqueue_indirect_dma source(%dma_start3A_964 : memref<512x16xf32, #tpu.memory_space<hbm>>) target(%dma_start3A_958 : memref<128x16xf32, #tpu.memory_space<vmem>>) offsets(%dma_start3A_961 : memref<128xi32, #tpu.memory_space<vmem>>) semaphore(%arg15 : memref<!tpu.dma_semaphore, #tpu.memory_space<semaphore_mem>>)
      %dma_start3A_965 = arith.constant 4 : i32
      %dma_start3A_966 = arith.constant 0 : i32
      %dma_start3A_967 = arith.constant 0 : i32
      %dma_start3A_968 = tpu.memref_slice %arg13[%dma_start3A_966, %dma_start3A_967] : memref<256x16xf32, #tpu.memory_space<vmem>> -> memref<128x16xf32, #tpu.memory_space<vmem>>
      %dma_start3A_969 = arith.constant 0 : i32
      %dma_start3A_970 = tpu.memref_slice %arg7[%dma_start3A_965, %dma_start3A_969] : memref<6x128xi32, #tpu.memory_space<vmem>> -> memref<1x128xi32, #tpu.memory_space<vmem>>
      %dma_start3A_971 = tpu.memref_squeeze %dma_start3A_970 : memref<1x128xi32, #tpu.memory_space<vmem>> -> memref<128xi32, #tpu.memory_space<vmem>>
      %dma_start3A_972 = arith.constant 0 : i32
      %dma_start3A_973 = arith.constant 0 : i32
      %dma_start3A_974 = tpu.memref_slice %arg5[%dma_start3A_972, %dma_start3A_973] : memref<512x16xf32, #tpu.memory_space<hbm>> -> memref<512x16xf32, #tpu.memory_space<hbm>>
      tpu.enqueue_indirect_dma source(%dma_start3A_974 : memref<512x16xf32, #tpu.memory_space<hbm>>) target(%dma_start3A_968 : memref<128x16xf32, #tpu.memory_space<vmem>>) offsets(%dma_start3A_971 : memref<128xi32, #tpu.memory_space<vmem>>) semaphore(%arg15 : memref<!tpu.dma_semaphore, #tpu.memory_space<semaphore_mem>>)
      %dma_start3A_975 = arith.constant 1 : i32
      %dma_start3A_976 = arith.constant 128 : i32
      %dma_start3A_977 = arith.constant 0 : i32
      %dma_start3A_978 = tpu.memref_slice %arg9[%dma_start3A_976, %dma_start3A_977] : memref<256x128xf32, #tpu.memory_space<vmem>> -> memref<128x128xf32, #tpu.memory_space<vmem>>
      %dma_start3A_979 = arith.constant 0 : i32
      %dma_start3A_980 = tpu.memref_slice %arg7[%dma_start3A_975, %dma_start3A_979] : memref<6x128xi32, #tpu.memory_space<vmem>> -> memref<1x128xi32, #tpu.memory_space<vmem>>
      %dma_start3A_981 = tpu.memref_squeeze %dma_start3A_980 : memref<1x128xi32, #tpu.memory_space<vmem>> -> memref<128xi32, #tpu.memory_space<vmem>>
      %dma_start3A_982 = arith.constant 0 : i32
      %dma_start3A_983 = arith.constant 0 : i32
      %dma_start3A_984 = tpu.memref_slice %arg3[%dma_start3A_982, %dma_start3A_983] : memref<1000000x128xf32, #tpu.memory_space<hbm>> -> memref<1000000x128xf32, #tpu.memory_space<hbm>>
      tpu.enqueue_indirect_dma source(%dma_start3A_984 : memref<1000000x128xf32, #tpu.memory_space<hbm>>) target(%dma_start3A_978 : memref<128x128xf32, #tpu.memory_space<vmem>>) offsets(%dma_start3A_981 : memref<128xi32, #tpu.memory_space<vmem>>) semaphore(%arg15 : memref<!tpu.dma_semaphore, #tpu.memory_space<semaphore_mem>>)
      %dma_start3A_985 = arith.constant 3 : i32
      %dma_start3A_986 = arith.constant 128 : i32
      %dma_start3A_987 = arith.constant 0 : i32
      %dma_start3A_988 = tpu.memref_slice %arg11[%dma_start3A_986, %dma_start3A_987] : memref<256x16xf32, #tpu.memory_space<vmem>> -> memref<128x16xf32, #tpu.memory_space<vmem>>
      %dma_start3A_989 = arith.constant 0 : i32
      %dma_start3A_990 = tpu.memref_slice %arg7[%dma_start3A_985, %dma_start3A_989] : memref<6x128xi32, #tpu.memory_space<vmem>> -> memref<1x128xi32, #tpu.memory_space<vmem>>
      %dma_start3A_991 = tpu.memref_squeeze %dma_start3A_990 : memref<1x128xi32, #tpu.memory_space<vmem>> -> memref<128xi32, #tpu.memory_space<vmem>>
      %dma_start3A_992 = arith.constant 0 : i32
      %dma_start3A_993 = arith.constant 0 : i32
      %dma_start3A_994 = tpu.memref_slice %arg4[%dma_start3A_992, %dma_start3A_993] : memref<512x16xf32, #tpu.memory_space<hbm>> -> memref<512x16xf32, #tpu.memory_space<hbm>>
      tpu.enqueue_indirect_dma source(%dma_start3A_994 : memref<512x16xf32, #tpu.memory_space<hbm>>) target(%dma_start3A_988 : memref<128x16xf32, #tpu.memory_space<vmem>>) offsets(%dma_start3A_991 : memref<128xi32, #tpu.memory_space<vmem>>) semaphore(%arg15 : memref<!tpu.dma_semaphore, #tpu.memory_space<semaphore_mem>>)
      %dma_start3A_995 = arith.constant 5 : i32
      %dma_start3A_996 = arith.constant 128 : i32
      %dma_start3A_997 = arith.constant 0 : i32
      %dma_start3A_998 = tpu.memref_slice %arg13[%dma_start3A_996, %dma_start3A_997] : memref<256x16xf32, #tpu.memory_space<vmem>> -> memref<128x16xf32, #tpu.memory_space<vmem>>
      %dma_start3A_999 = arith.constant 0 : i32
      %dma_start3A_1000 = tpu.memref_slice %arg7[%dma_start3A_995, %dma_start3A_999] : memref<6x128xi32, #tpu.memory_space<vmem>> -> memref<1x128xi32, #tpu.memory_space<vmem>>
      %dma_start3A_1001 = tpu.memref_squeeze %dma_start3A_1000 : memref<1x128xi32, #tpu.memory_space<vmem>> -> memref<128xi32, #tpu.memory_space<vmem>>
      %dma_start3A_1002 = arith.constant 0 : i32
      %dma_start3A_1003 = arith.constant 0 : i32
      %dma_start3A_1004 = tpu.memref_slice %arg5[%dma_start3A_1002, %dma_start3A_1003] : memref<512x16xf32, #tpu.memory_space<hbm>> -> memref<512x16xf32, #tpu.memory_space<hbm>>
      tpu.enqueue_indirect_dma source(%dma_start3A_1004 : memref<512x16xf32, #tpu.memory_space<hbm>>) target(%dma_start3A_998 : memref<128x16xf32, #tpu.memory_space<vmem>>) offsets(%dma_start3A_1001 : memref<128xi32, #tpu.memory_space<vmem>>) semaphore(%arg15 : memref<!tpu.dma_semaphore, #tpu.memory_space<semaphore_mem>>)
    }
    %scan3A_370 = arith.constant 48 : i32
    %dma_wait3A_371 = arith.constant 0 : i32
    %dma_wait3A_372 = arith.constant 0 : i32
    %dma_wait3A_373 = arith.constant 0 : i32
    %dma_wait3A_374 = tpu.memref_slice %arg9[%dma_wait3A_372, %dma_wait3A_373] : memref<256x128xf32, #tpu.memory_space<vmem>> -> memref<128x128xf32, #tpu.memory_space<vmem>>
    %dma_wait3A_375 = arith.constant 0 : i32
    %dma_wait3A_376 = tpu.memref_slice %arg7[%dma_wait3A_371, %dma_wait3A_375] : memref<6x128xi32, #tpu.memory_space<vmem>> -> memref<1x128xi32, #tpu.memory_space<vmem>>
    %dma_wait3A_377 = tpu.memref_squeeze %dma_wait3A_376 : memref<1x128xi32, #tpu.memory_space<vmem>> -> memref<128xi32, #tpu.memory_space<vmem>>
    %dma_wait3A_378 = arith.constant 0 : i32
    %dma_wait3A_379 = arith.constant 0 : i32
    %dma_wait3A_380 = tpu.memref_slice %arg3[%dma_wait3A_378, %dma_wait3A_379] : memref<1000000x128xf32, #tpu.memory_space<hbm>> -> memref<1000000x128xf32, #tpu.memory_space<hbm>>
    tpu.wait_indirect_dma semaphore(%arg15 : memref<!tpu.dma_semaphore, #tpu.memory_space<semaphore_mem>>) src(%dma_wait3A_380 : memref<1000000x128xf32, #tpu.memory_space<hbm>>) dst(%dma_wait3A_374 : memref<128x128xf32, #tpu.memory_space<vmem>>)
    %dma_wait3A_381 = arith.constant 2 : i32
    %dma_wait3A_382 = arith.constant 0 : i32
    %dma_wait3A_383 = arith.constant 0 : i32
    %dma_wait3A_384 = tpu.memref_slice %arg11[%dma_wait3A_382, %dma_wait3A_383] : memref<256x16xf32, #tpu.memory_space<vmem>> -> memref<128x16xf32, #tpu.memory_space<vmem>>
    %dma_wait3A_385 = arith.constant 0 : i32
    %dma_wait3A_386 = tpu.memref_slice %arg7[%dma_wait3A_381, %dma_wait3A_385] : memref<6x128xi32, #tpu.memory_space<vmem>> -> memref<1x128xi32, #tpu.memory_space<vmem>>
    %dma_wait3A_387 = tpu.memref_squeeze %dma_wait3A_386 : memref<1x128xi32, #tpu.memory_space<vmem>> -> memref<128xi32, #tpu.memory_space<vmem>>
    %dma_wait3A_388 = arith.constant 0 : i32
    %dma_wait3A_389 = arith.constant 0 : i32
    %dma_wait3A_390 = tpu.memref_slice %arg4[%dma_wait3A_388, %dma_wait3A_389] : memref<512x16xf32, #tpu.memory_space<hbm>> -> memref<512x16xf32, #tpu.memory_space<hbm>>
    tpu.wait_indirect_dma semaphore(%arg15 : memref<!tpu.dma_semaphore, #tpu.memory_space<semaphore_mem>>) src(%dma_wait3A_390 : memref<512x16xf32, #tpu.memory_space<hbm>>) dst(%dma_wait3A_384 : memref<128x16xf32, #tpu.memory_space<vmem>>)
    %dma_wait3A_391 = arith.constant 4 : i32
    %dma_wait3A_392 = arith.constant 0 : i32
    %dma_wait3A_393 = arith.constant 0 : i32
    %dma_wait3A_394 = tpu.memref_slice %arg13[%dma_wait3A_392, %dma_wait3A_393] : memref<256x16xf32, #tpu.memory_space<vmem>> -> memref<128x16xf32, #tpu.memory_space<vmem>>
    %dma_wait3A_395 = arith.constant 0 : i32
    %dma_wait3A_396 = tpu.memref_slice %arg7[%dma_wait3A_391, %dma_wait3A_395] : memref<6x128xi32, #tpu.memory_space<vmem>> -> memref<1x128xi32, #tpu.memory_space<vmem>>
    %dma_wait3A_397 = tpu.memref_squeeze %dma_wait3A_396 : memref<1x128xi32, #tpu.memory_space<vmem>> -> memref<128xi32, #tpu.memory_space<vmem>>
    %dma_wait3A_398 = arith.constant 0 : i32
    %dma_wait3A_399 = arith.constant 0 : i32
    %dma_wait3A_400 = tpu.memref_slice %arg5[%dma_wait3A_398, %dma_wait3A_399] : memref<512x16xf32, #tpu.memory_space<hbm>> -> memref<512x16xf32, #tpu.memory_space<hbm>>
    tpu.wait_indirect_dma semaphore(%arg15 : memref<!tpu.dma_semaphore, #tpu.memory_space<semaphore_mem>>) src(%dma_wait3A_400 : memref<512x16xf32, #tpu.memory_space<hbm>>) dst(%dma_wait3A_394 : memref<128x16xf32, #tpu.memory_space<vmem>>)
    %dma_wait3A_401 = arith.constant 1 : i32
    %dma_wait3A_402 = arith.constant 128 : i32
    %dma_wait3A_403 = arith.constant 0 : i32
    %dma_wait3A_404 = tpu.memref_slice %arg9[%dma_wait3A_402, %dma_wait3A_403] : memref<256x128xf32, #tpu.memory_space<vmem>> -> memref<128x128xf32, #tpu.memory_space<vmem>>
    %dma_wait3A_405 = arith.constant 0 : i32
    %dma_wait3A_406 = tpu.memref_slice %arg7[%dma_wait3A_401, %dma_wait3A_405] : memref<6x128xi32, #tpu.memory_space<vmem>> -> memref<1x128xi32, #tpu.memory_space<vmem>>
    %dma_wait3A_407 = tpu.memref_squeeze %dma_wait3A_406 : memref<1x128xi32, #tpu.memory_space<vmem>> -> memref<128xi32, #tpu.memory_space<vmem>>
    %dma_wait3A_408 = arith.constant 0 : i32
    %dma_wait3A_409 = arith.constant 0 : i32
    %dma_wait3A_410 = tpu.memref_slice %arg3[%dma_wait3A_408, %dma_wait3A_409] : memref<1000000x128xf32, #tpu.memory_space<hbm>> -> memref<1000000x128xf32, #tpu.memory_space<hbm>>
    tpu.wait_indirect_dma semaphore(%arg15 : memref<!tpu.dma_semaphore, #tpu.memory_space<semaphore_mem>>) src(%dma_wait3A_410 : memref<1000000x128xf32, #tpu.memory_space<hbm>>) dst(%dma_wait3A_404 : memref<128x128xf32, #tpu.memory_space<vmem>>)
    %dma_wait3A_411 = arith.constant 3 : i32
    %dma_wait3A_412 = arith.constant 128 : i32
    %dma_wait3A_413 = arith.constant 0 : i32
    %dma_wait3A_414 = tpu.memref_slice %arg11[%dma_wait3A_412, %dma_wait3A_413] : memref<256x16xf32, #tpu.memory_space<vmem>> -> memref<128x16xf32, #tpu.memory_space<vmem>>
    %dma_wait3A_415 = arith.constant 0 : i32
    %dma_wait3A_416 = tpu.memref_slice %arg7[%dma_wait3A_411, %dma_wait3A_415] : memref<6x128xi32, #tpu.memory_space<vmem>> -> memref<1x128xi32, #tpu.memory_space<vmem>>
    %dma_wait3A_417 = tpu.memref_squeeze %dma_wait3A_416 : memref<1x128xi32, #tpu.memory_space<vmem>> -> memref<128xi32, #tpu.memory_space<vmem>>
    %dma_wait3A_418 = arith.constant 0 : i32
    %dma_wait3A_419 = arith.constant 0 : i32
    %dma_wait3A_420 = tpu.memref_slice %arg4[%dma_wait3A_418, %dma_wait3A_419] : memref<512x16xf32, #tpu.memory_space<hbm>> -> memref<512x16xf32, #tpu.memory_space<hbm>>
    tpu.wait_indirect_dma semaphore(%arg15 : memref<!tpu.dma_semaphore, #tpu.memory_space<semaphore_mem>>) src(%dma_wait3A_420 : memref<512x16xf32, #tpu.memory_space<hbm>>) dst(%dma_wait3A_414 : memref<128x16xf32, #tpu.memory_space<vmem>>)
    %dma_wait3A_421 = arith.constant 5 : i32
    %dma_wait3A_422 = arith.constant 128 : i32
    %dma_wait3A_423 = arith.constant 0 : i32
    %dma_wait3A_424 = tpu.memref_slice %arg13[%dma_wait3A_422, %dma_wait3A_423] : memref<256x16xf32, #tpu.memory_space<vmem>> -> memref<128x16xf32, #tpu.memory_space<vmem>>
    %dma_wait3A_425 = arith.constant 0 : i32
    %dma_wait3A_426 = tpu.memref_slice %arg7[%dma_wait3A_421, %dma_wait3A_425] : memref<6x128xi32, #tpu.memory_space<vmem>> -> memref<1x128xi32, #tpu.memory_space<vmem>>
    %dma_wait3A_427 = tpu.memref_squeeze %dma_wait3A_426 : memref<1x128xi32, #tpu.memory_space<vmem>> -> memref<128xi32, #tpu.memory_space<vmem>>
    %dma_wait3A_428 = arith.constant 0 : i32
    %dma_wait3A_429 = arith.constant 0 : i32
    %dma_wait3A_430 = tpu.memref_slice %arg5[%dma_wait3A_428, %dma_wait3A_429] : memref<512x16xf32, #tpu.memory_space<hbm>> -> memref<512x16xf32, #tpu.memory_space<hbm>>
    tpu.wait_indirect_dma semaphore(%arg15 : memref<!tpu.dma_semaphore, #tpu.memory_space<semaphore_mem>>) src(%dma_wait3A_430 : memref<512x16xf32, #tpu.memory_space<hbm>>) dst(%dma_wait3A_424 : memref<128x16xf32, #tpu.memory_space<vmem>>)
    %mul3A_431 = arith.constant 25600 : i32
    %mul3A_432 = arith.muli %add3A, %mul3A_431 : i32
    %add3A_433 = arith.constant 0 : i32
    %add3A_434 = arith.addi %mul3A_432, %add3A_433 : i32
    %dma_wait3A_435 = arith.constant 0 : i32
    %dma_wait3A_436 = arith.constant 0 : i32
    %dma_wait3A_437 = tpu.memref_slice %arg10[%dma_wait3A_435, %dma_wait3A_436] : memref<256x128xf32, #tpu.memory_space<vmem>> -> memref<256x64xf32, #tpu.memory_space<vmem>>
    %dma_wait3A_438 = arith.constant 0 : i32
    %dma_wait3A_439 = tpu.memref_slice %arg6[%add3A_434, %dma_wait3A_438] : memref<819200x128xf32, #tpu.memory_space<hbm>> -> memref<256x64xf32, #tpu.memory_space<hbm>>
    %dma_wait3A_440 = arith.constant 0 : i32
    %dma_wait3A_441 = tpu.memref_slice %arg6[%add3A_434, %dma_wait3A_440] : memref<819200x128xf32, #tpu.memory_space<hbm>> -> memref<256x64xf32, #tpu.memory_space<hbm>>
    %dma_wait3A_442 = arith.constant 0 : i32
    %dma_wait3A_443 = arith.constant 0 : i32
    %dma_wait3A_444 = tpu.memref_slice %arg10[%dma_wait3A_442, %dma_wait3A_443] : memref<256x128xf32, #tpu.memory_space<vmem>> -> memref<256x64xf32, #tpu.memory_space<vmem>>
    tpu.wait_dma2 semaphore(%arg18 : memref<!tpu.dma_semaphore, #tpu.memory_space<semaphore_mem>>) src(%dma_wait3A_444 : memref<256x64xf32, #tpu.memory_space<vmem>>) dst(%dma_wait3A_441 : memref<256x64xf32, #tpu.memory_space<hbm>>)
    %dma_wait3A_445 = arith.constant 64 : i32
    %dma_wait3A_446 = tpu.memref_slice %arg6[%add3A_434, %dma_wait3A_445] : memref<819200x128xf32, #tpu.memory_space<hbm>> -> memref<256x16xf32, #tpu.memory_space<hbm>>
    %dma_wait3A_447 = arith.constant 64 : i32
    %dma_wait3A_448 = tpu.memref_slice %arg6[%add3A_434, %dma_wait3A_447] : memref<819200x128xf32, #tpu.memory_space<hbm>> -> memref<256x16xf32, #tpu.memory_space<hbm>>
    tpu.wait_dma2 semaphore(%arg18 : memref<!tpu.dma_semaphore, #tpu.memory_space<semaphore_mem>>) src(%arg12 : memref<256x16xf32, #tpu.memory_space<vmem>>) dst(%dma_wait3A_448 : memref<256x16xf32, #tpu.memory_space<hbm>>)
    %dma_wait3A_449 = arith.constant 80 : i32
    %dma_wait3A_450 = tpu.memref_slice %arg6[%add3A_434, %dma_wait3A_449] : memref<819200x128xf32, #tpu.memory_space<hbm>> -> memref<256x16xf32, #tpu.memory_space<hbm>>
    %dma_wait3A_451 = arith.constant 80 : i32
    %dma_wait3A_452 = tpu.memref_slice %arg6[%add3A_434, %dma_wait3A_451] : memref<819200x128xf32, #tpu.memory_space<hbm>> -> memref<256x16xf32, #tpu.memory_space<hbm>>
    tpu.wait_dma2 semaphore(%arg18 : memref<!tpu.dma_semaphore, #tpu.memory_space<semaphore_mem>>) src(%arg14 : memref<256x16xf32, #tpu.memory_space<vmem>>) dst(%dma_wait3A_452 : memref<256x16xf32, #tpu.memory_space<hbm>>)
    %mul3A_453 = arith.constant 25600 : i32
    %mul3A_454 = arith.muli %add3A, %mul3A_453 : i32
    %add3A_455 = arith.constant 25088 : i32
    %add3A_456 = arith.addi %mul3A_454, %add3A_455 : i32
    %dma_start3A_457 = arith.constant 0 : i32
    %dma_start3A_458 = arith.constant 0 : i32
    %dma_start3A_459 = tpu.memref_slice %arg9[%dma_start3A_457, %dma_start3A_458] : memref<256x128xf32, #tpu.memory_space<vmem>> -> memref<256x64xf32, #tpu.memory_space<vmem>>
    %dma_start3A_460 = arith.constant 0 : i32
    %dma_start3A_461 = tpu.memref_slice %arg6[%add3A_456, %dma_start3A_460] : memref<819200x128xf32, #tpu.memory_space<hbm>> -> memref<256x64xf32, #tpu.memory_space<hbm>>
    %dma_start3A_462 = arith.constant 0 : i32
    %dma_start3A_463 = tpu.memref_slice %arg6[%add3A_456, %dma_start3A_462] : memref<819200x128xf32, #tpu.memory_space<hbm>> -> memref<256x64xf32, #tpu.memory_space<hbm>>
    %dma_start3A_464 = arith.constant 0 : i32
    %dma_start3A_465 = arith.constant 0 : i32
    %dma_start3A_466 = tpu.memref_slice %arg9[%dma_start3A_464, %dma_start3A_465] : memref<256x128xf32, #tpu.memory_space<vmem>> -> memref<256x64xf32, #tpu.memory_space<vmem>>
    tpu.enqueue_dma source(%dma_start3A_466 : memref<256x64xf32, #tpu.memory_space<vmem>>) target(%dma_start3A_463 : memref<256x64xf32, #tpu.memory_space<hbm>>) target_semaphore(%arg17 : memref<!tpu.dma_semaphore, #tpu.memory_space<semaphore_mem>>)
    %dma_start3A_467 = arith.constant 64 : i32
    %dma_start3A_468 = tpu.memref_slice %arg6[%add3A_456, %dma_start3A_467] : memref<819200x128xf32, #tpu.memory_space<hbm>> -> memref<256x16xf32, #tpu.memory_space<hbm>>
    %dma_start3A_469 = arith.constant 64 : i32
    %dma_start3A_470 = tpu.memref_slice %arg6[%add3A_456, %dma_start3A_469] : memref<819200x128xf32, #tpu.memory_space<hbm>> -> memref<256x16xf32, #tpu.memory_space<hbm>>
    tpu.enqueue_dma source(%arg11 : memref<256x16xf32, #tpu.memory_space<vmem>>) target(%dma_start3A_470 : memref<256x16xf32, #tpu.memory_space<hbm>>) target_semaphore(%arg17 : memref<!tpu.dma_semaphore, #tpu.memory_space<semaphore_mem>>)
    %dma_start3A_471 = arith.constant 80 : i32
    %dma_start3A_472 = tpu.memref_slice %arg6[%add3A_456, %dma_start3A_471] : memref<819200x128xf32, #tpu.memory_space<hbm>> -> memref<256x16xf32, #tpu.memory_space<hbm>>
    %dma_start3A_473 = arith.constant 80 : i32
    %dma_start3A_474 = tpu.memref_slice %arg6[%add3A_456, %dma_start3A_473] : memref<819200x128xf32, #tpu.memory_space<hbm>> -> memref<256x16xf32, #tpu.memory_space<hbm>>
    tpu.enqueue_dma source(%arg13 : memref<256x16xf32, #tpu.memory_space<vmem>>) target(%dma_start3A_474 : memref<256x16xf32, #tpu.memory_space<hbm>>) target_semaphore(%arg17 : memref<!tpu.dma_semaphore, #tpu.memory_space<semaphore_mem>>)
    %run_scoped3A_475 = arith.constant 99 : i32
    "tpu.region"() ({
      %run_scoped3A_662 = tpu.sem_alloc : memref<!tpu.dma_semaphore, #tpu.memory_space<semaphore_mem>>
      %dma_start3A_663 = arith.constant 0 : i32
      %dma_start3A_664 = arith.constant 0 : i32
      %dma_start3A_665 = tpu.memref_slice %arg2[%add3A, %run_scoped3A_475, %dma_start3A_663, %dma_start3A_664] : memref<32x100x6x128xi32, #tpu.memory_space<hbm>> -> memref<1x1x6x128xi32, #tpu.memory_space<hbm>>
      %dma_start3A_666 = tpu.memref_squeeze %dma_start3A_665 : memref<1x1x6x128xi32, #tpu.memory_space<hbm>> -> memref<6x128xi32, #tpu.memory_space<hbm>>
      %dma_start3A_667 = arith.constant 0 : i32
      %dma_start3A_668 = arith.constant 0 : i32
      %dma_start3A_669 = tpu.memref_slice %arg2[%add3A, %run_scoped3A_475, %dma_start3A_667, %dma_start3A_668] : memref<32x100x6x128xi32, #tpu.memory_space<hbm>> -> memref<1x1x6x128xi32, #tpu.memory_space<hbm>>
      %dma_start3A_670 = tpu.memref_squeeze %dma_start3A_669 : memref<1x1x6x128xi32, #tpu.memory_space<hbm>> -> memref<6x128xi32, #tpu.memory_space<hbm>>
      tpu.enqueue_dma source(%dma_start3A_670 : memref<6x128xi32, #tpu.memory_space<hbm>>) target(%arg8 : memref<6x128xi32, #tpu.memory_space<vmem>>) target_semaphore(%run_scoped3A_662 : memref<!tpu.dma_semaphore, #tpu.memory_space<semaphore_mem>>)
      %dma_wait3A_671 = arith.constant 0 : i32
      %dma_wait3A_672 = arith.constant 0 : i32
      %dma_wait3A_673 = tpu.memref_slice %arg2[%add3A, %run_scoped3A_475, %dma_wait3A_671, %dma_wait3A_672] : memref<32x100x6x128xi32, #tpu.memory_space<hbm>> -> memref<1x1x6x128xi32, #tpu.memory_space<hbm>>
      %dma_wait3A_674 = tpu.memref_squeeze %dma_wait3A_673 : memref<1x1x6x128xi32, #tpu.memory_space<hbm>> -> memref<6x128xi32, #tpu.memory_space<hbm>>
      %dma_wait3A_675 = arith.constant 0 : i32
      %dma_wait3A_676 = arith.constant 0 : i32
      %dma_wait3A_677 = tpu.memref_slice %arg2[%add3A, %run_scoped3A_475, %dma_wait3A_675, %dma_wait3A_676] : memref<32x100x6x128xi32, #tpu.memory_space<hbm>> -> memref<1x1x6x128xi32, #tpu.memory_space<hbm>>
      %dma_wait3A_678 = tpu.memref_squeeze %dma_wait3A_677 : memref<1x1x6x128xi32, #tpu.memory_space<hbm>> -> memref<6x128xi32, #tpu.memory_space<hbm>>
      tpu.wait_dma2 semaphore(%run_scoped3A_662 : memref<!tpu.dma_semaphore, #tpu.memory_space<semaphore_mem>>) src(%dma_wait3A_678 : memref<6x128xi32, #tpu.memory_space<hbm>>) dst(%arg8 : memref<6x128xi32, #tpu.memory_space<vmem>>)
      tpu.yield
    }) : () -> ()
    %dma_start3A_476 = arith.constant 0 : i32
    %dma_start3A_477 = arith.constant 0 : i32
    %dma_start3A_478 = arith.constant 0 : i32
    %dma_start3A_479 = tpu.memref_slice %arg10[%dma_start3A_477, %dma_start3A_478] : memref<256x128xf32, #tpu.memory_space<vmem>> -> memref<128x128xf32, #tpu.memory_space<vmem>>
    %dma_start3A_480 = arith.constant 0 : i32
    %dma_start3A_481 = tpu.memref_slice %arg8[%dma_start3A_476, %dma_start3A_480] : memref<6x128xi32, #tpu.memory_space<vmem>> -> memref<1x128xi32, #tpu.memory_space<vmem>>
    %dma_start3A_482 = tpu.memref_squeeze %dma_start3A_481 : memref<1x128xi32, #tpu.memory_space<vmem>> -> memref<128xi32, #tpu.memory_space<vmem>>
    %dma_start3A_483 = arith.constant 0 : i32
    %dma_start3A_484 = arith.constant 0 : i32
    %dma_start3A_485 = tpu.memref_slice %arg3[%dma_start3A_483, %dma_start3A_484] : memref<1000000x128xf32, #tpu.memory_space<hbm>> -> memref<1000000x128xf32, #tpu.memory_space<hbm>>
    tpu.enqueue_indirect_dma source(%dma_start3A_485 : memref<1000000x128xf32, #tpu.memory_space<hbm>>) target(%dma_start3A_479 : memref<128x128xf32, #tpu.memory_space<vmem>>) offsets(%dma_start3A_482 : memref<128xi32, #tpu.memory_space<vmem>>) semaphore(%arg16 : memref<!tpu.dma_semaphore, #tpu.memory_space<semaphore_mem>>)
    %dma_start3A_486 = arith.constant 2 : i32
    %dma_start3A_487 = arith.constant 0 : i32
    %dma_start3A_488 = arith.constant 0 : i32
    %dma_start3A_489 = tpu.memref_slice %arg12[%dma_start3A_487, %dma_start3A_488] : memref<256x16xf32, #tpu.memory_space<vmem>> -> memref<128x16xf32, #tpu.memory_space<vmem>>
    %dma_start3A_490 = arith.constant 0 : i32
    %dma_start3A_491 = tpu.memref_slice %arg8[%dma_start3A_486, %dma_start3A_490] : memref<6x128xi32, #tpu.memory_space<vmem>> -> memref<1x128xi32, #tpu.memory_space<vmem>>
    %dma_start3A_492 = tpu.memref_squeeze %dma_start3A_491 : memref<1x128xi32, #tpu.memory_space<vmem>> -> memref<128xi32, #tpu.memory_space<vmem>>
    %dma_start3A_493 = arith.constant 0 : i32
    %dma_start3A_494 = arith.constant 0 : i32
    %dma_start3A_495 = tpu.memref_slice %arg4[%dma_start3A_493, %dma_start3A_494] : memref<512x16xf32, #tpu.memory_space<hbm>> -> memref<512x16xf32, #tpu.memory_space<hbm>>
    tpu.enqueue_indirect_dma source(%dma_start3A_495 : memref<512x16xf32, #tpu.memory_space<hbm>>) target(%dma_start3A_489 : memref<128x16xf32, #tpu.memory_space<vmem>>) offsets(%dma_start3A_492 : memref<128xi32, #tpu.memory_space<vmem>>) semaphore(%arg16 : memref<!tpu.dma_semaphore, #tpu.memory_space<semaphore_mem>>)
    %dma_start3A_496 = arith.constant 4 : i32
    %dma_start3A_497 = arith.constant 0 : i32
    %dma_start3A_498 = arith.constant 0 : i32
    %dma_start3A_499 = tpu.memref_slice %arg14[%dma_start3A_497, %dma_start3A_498] : memref<256x16xf32, #tpu.memory_space<vmem>> -> memref<128x16xf32, #tpu.memory_space<vmem>>
    %dma_start3A_500 = arith.constant 0 : i32
    %dma_start3A_501 = tpu.memref_slice %arg8[%dma_start3A_496, %dma_start3A_500] : memref<6x128xi32, #tpu.memory_space<vmem>> -> memref<1x128xi32, #tpu.memory_space<vmem>>
    %dma_start3A_502 = tpu.memref_squeeze %dma_start3A_501 : memref<1x128xi32, #tpu.memory_space<vmem>> -> memref<128xi32, #tpu.memory_space<vmem>>
    %dma_start3A_503 = arith.constant 0 : i32
    %dma_start3A_504 = arith.constant 0 : i32
    %dma_start3A_505 = tpu.memref_slice %arg5[%dma_start3A_503, %dma_start3A_504] : memref<512x16xf32, #tpu.memory_space<hbm>> -> memref<512x16xf32, #tpu.memory_space<hbm>>
    tpu.enqueue_indirect_dma source(%dma_start3A_505 : memref<512x16xf32, #tpu.memory_space<hbm>>) target(%dma_start3A_499 : memref<128x16xf32, #tpu.memory_space<vmem>>) offsets(%dma_start3A_502 : memref<128xi32, #tpu.memory_space<vmem>>) semaphore(%arg16 : memref<!tpu.dma_semaphore, #tpu.memory_space<semaphore_mem>>)
    %dma_start3A_506 = arith.constant 1 : i32
    %dma_start3A_507 = arith.constant 128 : i32
    %dma_start3A_508 = arith.constant 0 : i32
    %dma_start3A_509 = tpu.memref_slice %arg10[%dma_start3A_507, %dma_start3A_508] : memref<256x128xf32, #tpu.memory_space<vmem>> -> memref<128x128xf32, #tpu.memory_space<vmem>>
    %dma_start3A_510 = arith.constant 0 : i32
    %dma_start3A_511 = tpu.memref_slice %arg8[%dma_start3A_506, %dma_start3A_510] : memref<6x128xi32, #tpu.memory_space<vmem>> -> memref<1x128xi32, #tpu.memory_space<vmem>>
    %dma_start3A_512 = tpu.memref_squeeze %dma_start3A_511 : memref<1x128xi32, #tpu.memory_space<vmem>> -> memref<128xi32, #tpu.memory_space<vmem>>
    %dma_start3A_513 = arith.constant 0 : i32
    %dma_start3A_514 = arith.constant 0 : i32
    %dma_start3A_515 = tpu.memref_slice %arg3[%dma_start3A_513, %dma_start3A_514] : memref<1000000x128xf32, #tpu.memory_space<hbm>> -> memref<1000000x128xf32, #tpu.memory_space<hbm>>
    tpu.enqueue_indirect_dma source(%dma_start3A_515 : memref<1000000x128xf32, #tpu.memory_space<hbm>>) target(%dma_start3A_509 : memref<128x128xf32, #tpu.memory_space<vmem>>) offsets(%dma_start3A_512 : memref<128xi32, #tpu.memory_space<vmem>>) semaphore(%arg16 : memref<!tpu.dma_semaphore, #tpu.memory_space<semaphore_mem>>)
    %dma_start3A_516 = arith.constant 3 : i32
    %dma_start3A_517 = arith.constant 128 : i32
    %dma_start3A_518 = arith.constant 0 : i32
    %dma_start3A_519 = tpu.memref_slice %arg12[%dma_start3A_517, %dma_start3A_518] : memref<256x16xf32, #tpu.memory_space<vmem>> -> memref<128x16xf32, #tpu.memory_space<vmem>>
    %dma_start3A_520 = arith.constant 0 : i32
    %dma_start3A_521 = tpu.memref_slice %arg8[%dma_start3A_516, %dma_start3A_520] : memref<6x128xi32, #tpu.memory_space<vmem>> -> memref<1x128xi32, #tpu.memory_space<vmem>>
    %dma_start3A_522 = tpu.memref_squeeze %dma_start3A_521 : memref<1x128xi32, #tpu.memory_space<vmem>> -> memref<128xi32, #tpu.memory_space<vmem>>
    %dma_start3A_523 = arith.constant 0 : i32
    %dma_start3A_524 = arith.constant 0 : i32
    %dma_start3A_525 = tpu.memref_slice %arg4[%dma_start3A_523, %dma_start3A_524] : memref<512x16xf32, #tpu.memory_space<hbm>> -> memref<512x16xf32, #tpu.memory_space<hbm>>
    tpu.enqueue_indirect_dma source(%dma_start3A_525 : memref<512x16xf32, #tpu.memory_space<hbm>>) target(%dma_start3A_519 : memref<128x16xf32, #tpu.memory_space<vmem>>) offsets(%dma_start3A_522 : memref<128xi32, #tpu.memory_space<vmem>>) semaphore(%arg16 : memref<!tpu.dma_semaphore, #tpu.memory_space<semaphore_mem>>)
    %dma_start3A_526 = arith.constant 5 : i32
    %dma_start3A_527 = arith.constant 128 : i32
    %dma_start3A_528 = arith.constant 0 : i32
    %dma_start3A_529 = tpu.memref_slice %arg14[%dma_start3A_527, %dma_start3A_528] : memref<256x16xf32, #tpu.memory_space<vmem>> -> memref<128x16xf32, #tpu.memory_space<vmem>>
    %dma_start3A_530 = arith.constant 0 : i32
    %dma_start3A_531 = tpu.memref_slice %arg8[%dma_start3A_526, %dma_start3A_530] : memref<6x128xi32, #tpu.memory_space<vmem>> -> memref<1x128xi32, #tpu.memory_space<vmem>>
    %dma_start3A_532 = tpu.memref_squeeze %dma_start3A_531 : memref<1x128xi32, #tpu.memory_space<vmem>> -> memref<128xi32, #tpu.memory_space<vmem>>
    %dma_start3A_533 = arith.constant 0 : i32
    %dma_start3A_534 = arith.constant 0 : i32
    %dma_start3A_535 = tpu.memref_slice %arg5[%dma_start3A_533, %dma_start3A_534] : memref<512x16xf32, #tpu.memory_space<hbm>> -> memref<512x16xf32, #tpu.memory_space<hbm>>
    tpu.enqueue_indirect_dma source(%dma_start3A_535 : memref<512x16xf32, #tpu.memory_space<hbm>>) target(%dma_start3A_529 : memref<128x16xf32, #tpu.memory_space<vmem>>) offsets(%dma_start3A_532 : memref<128xi32, #tpu.memory_space<vmem>>) semaphore(%arg16 : memref<!tpu.dma_semaphore, #tpu.memory_space<semaphore_mem>>)
    %dma_wait3A_536 = arith.constant 0 : i32
    %dma_wait3A_537 = arith.constant 0 : i32
    %dma_wait3A_538 = arith.constant 0 : i32
    %dma_wait3A_539 = tpu.memref_slice %arg10[%dma_wait3A_537, %dma_wait3A_538] : memref<256x128xf32, #tpu.memory_space<vmem>> -> memref<128x128xf32, #tpu.memory_space<vmem>>
    %dma_wait3A_540 = arith.constant 0 : i32
    %dma_wait3A_541 = tpu.memref_slice %arg8[%dma_wait3A_536, %dma_wait3A_540] : memref<6x128xi32, #tpu.memory_space<vmem>> -> memref<1x128xi32, #tpu.memory_space<vmem>>
    %dma_wait3A_542 = tpu.memref_squeeze %dma_wait3A_541 : memref<1x128xi32, #tpu.memory_space<vmem>> -> memref<128xi32, #tpu.memory_space<vmem>>
    %dma_wait3A_543 = arith.constant 0 : i32
    %dma_wait3A_544 = arith.constant 0 : i32
    %dma_wait3A_545 = tpu.memref_slice %arg3[%dma_wait3A_543, %dma_wait3A_544] : memref<1000000x128xf32, #tpu.memory_space<hbm>> -> memref<1000000x128xf32, #tpu.memory_space<hbm>>
    tpu.wait_indirect_dma semaphore(%arg16 : memref<!tpu.dma_semaphore, #tpu.memory_space<semaphore_mem>>) src(%dma_wait3A_545 : memref<1000000x128xf32, #tpu.memory_space<hbm>>) dst(%dma_wait3A_539 : memref<128x128xf32, #tpu.memory_space<vmem>>)
    %dma_wait3A_546 = arith.constant 2 : i32
    %dma_wait3A_547 = arith.constant 0 : i32
    %dma_wait3A_548 = arith.constant 0 : i32
    %dma_wait3A_549 = tpu.memref_slice %arg12[%dma_wait3A_547, %dma_wait3A_548] : memref<256x16xf32, #tpu.memory_space<vmem>> -> memref<128x16xf32, #tpu.memory_space<vmem>>
    %dma_wait3A_550 = arith.constant 0 : i32
    %dma_wait3A_551 = tpu.memref_slice %arg8[%dma_wait3A_546, %dma_wait3A_550] : memref<6x128xi32, #tpu.memory_space<vmem>> -> memref<1x128xi32, #tpu.memory_space<vmem>>
    %dma_wait3A_552 = tpu.memref_squeeze %dma_wait3A_551 : memref<1x128xi32, #tpu.memory_space<vmem>> -> memref<128xi32, #tpu.memory_space<vmem>>
    %dma_wait3A_553 = arith.constant 0 : i32
    %dma_wait3A_554 = arith.constant 0 : i32
    %dma_wait3A_555 = tpu.memref_slice %arg4[%dma_wait3A_553, %dma_wait3A_554] : memref<512x16xf32, #tpu.memory_space<hbm>> -> memref<512x16xf32, #tpu.memory_space<hbm>>
    tpu.wait_indirect_dma semaphore(%arg16 : memref<!tpu.dma_semaphore, #tpu.memory_space<semaphore_mem>>) src(%dma_wait3A_555 : memref<512x16xf32, #tpu.memory_space<hbm>>) dst(%dma_wait3A_549 : memref<128x16xf32, #tpu.memory_space<vmem>>)
    %dma_wait3A_556 = arith.constant 4 : i32
    %dma_wait3A_557 = arith.constant 0 : i32
    %dma_wait3A_558 = arith.constant 0 : i32
    %dma_wait3A_559 = tpu.memref_slice %arg14[%dma_wait3A_557, %dma_wait3A_558] : memref<256x16xf32, #tpu.memory_space<vmem>> -> memref<128x16xf32, #tpu.memory_space<vmem>>
    %dma_wait3A_560 = arith.constant 0 : i32
    %dma_wait3A_561 = tpu.memref_slice %arg8[%dma_wait3A_556, %dma_wait3A_560] : memref<6x128xi32, #tpu.memory_space<vmem>> -> memref<1x128xi32, #tpu.memory_space<vmem>>
    %dma_wait3A_562 = tpu.memref_squeeze %dma_wait3A_561 : memref<1x128xi32, #tpu.memory_space<vmem>> -> memref<128xi32, #tpu.memory_space<vmem>>
    %dma_wait3A_563 = arith.constant 0 : i32
    %dma_wait3A_564 = arith.constant 0 : i32
    %dma_wait3A_565 = tpu.memref_slice %arg5[%dma_wait3A_563, %dma_wait3A_564] : memref<512x16xf32, #tpu.memory_space<hbm>> -> memref<512x16xf32, #tpu.memory_space<hbm>>
    tpu.wait_indirect_dma semaphore(%arg16 : memref<!tpu.dma_semaphore, #tpu.memory_space<semaphore_mem>>) src(%dma_wait3A_565 : memref<512x16xf32, #tpu.memory_space<hbm>>) dst(%dma_wait3A_559 : memref<128x16xf32, #tpu.memory_space<vmem>>)
    %dma_wait3A_566 = arith.constant 1 : i32
    %dma_wait3A_567 = arith.constant 128 : i32
    %dma_wait3A_568 = arith.constant 0 : i32
    %dma_wait3A_569 = tpu.memref_slice %arg10[%dma_wait3A_567, %dma_wait3A_568] : memref<256x128xf32, #tpu.memory_space<vmem>> -> memref<128x128xf32, #tpu.memory_space<vmem>>
    %dma_wait3A_570 = arith.constant 0 : i32
    %dma_wait3A_571 = tpu.memref_slice %arg8[%dma_wait3A_566, %dma_wait3A_570] : memref<6x128xi32, #tpu.memory_space<vmem>> -> memref<1x128xi32, #tpu.memory_space<vmem>>
    %dma_wait3A_572 = tpu.memref_squeeze %dma_wait3A_571 : memref<1x128xi32, #tpu.memory_space<vmem>> -> memref<128xi32, #tpu.memory_space<vmem>>
    %dma_wait3A_573 = arith.constant 0 : i32
    %dma_wait3A_574 = arith.constant 0 : i32
    %dma_wait3A_575 = tpu.memref_slice %arg3[%dma_wait3A_573, %dma_wait3A_574] : memref<1000000x128xf32, #tpu.memory_space<hbm>> -> memref<1000000x128xf32, #tpu.memory_space<hbm>>
    tpu.wait_indirect_dma semaphore(%arg16 : memref<!tpu.dma_semaphore, #tpu.memory_space<semaphore_mem>>) src(%dma_wait3A_575 : memref<1000000x128xf32, #tpu.memory_space<hbm>>) dst(%dma_wait3A_569 : memref<128x128xf32, #tpu.memory_space<vmem>>)
    %dma_wait3A_576 = arith.constant 3 : i32
    %dma_wait3A_577 = arith.constant 128 : i32
    %dma_wait3A_578 = arith.constant 0 : i32
    %dma_wait3A_579 = tpu.memref_slice %arg12[%dma_wait3A_577, %dma_wait3A_578] : memref<256x16xf32, #tpu.memory_space<vmem>> -> memref<128x16xf32, #tpu.memory_space<vmem>>
    %dma_wait3A_580 = arith.constant 0 : i32
    %dma_wait3A_581 = tpu.memref_slice %arg8[%dma_wait3A_576, %dma_wait3A_580] : memref<6x128xi32, #tpu.memory_space<vmem>> -> memref<1x128xi32, #tpu.memory_space<vmem>>
    %dma_wait3A_582 = tpu.memref_squeeze %dma_wait3A_581 : memref<1x128xi32, #tpu.memory_space<vmem>> -> memref<128xi32, #tpu.memory_space<vmem>>
    %dma_wait3A_583 = arith.constant 0 : i32
    %dma_wait3A_584 = arith.constant 0 : i32
    %dma_wait3A_585 = tpu.memref_slice %arg4[%dma_wait3A_583, %dma_wait3A_584] : memref<512x16xf32, #tpu.memory_space<hbm>> -> memref<512x16xf32, #tpu.memory_space<hbm>>
    tpu.wait_indirect_dma semaphore(%arg16 : memref<!tpu.dma_semaphore, #tpu.memory_space<semaphore_mem>>) src(%dma_wait3A_585 : memref<512x16xf32, #tpu.memory_space<hbm>>) dst(%dma_wait3A_579 : memref<128x16xf32, #tpu.memory_space<vmem>>)
    %dma_wait3A_586 = arith.constant 5 : i32
    %dma_wait3A_587 = arith.constant 128 : i32
    %dma_wait3A_588 = arith.constant 0 : i32
    %dma_wait3A_589 = tpu.memref_slice %arg14[%dma_wait3A_587, %dma_wait3A_588] : memref<256x16xf32, #tpu.memory_space<vmem>> -> memref<128x16xf32, #tpu.memory_space<vmem>>
    %dma_wait3A_590 = arith.constant 0 : i32
    %dma_wait3A_591 = tpu.memref_slice %arg8[%dma_wait3A_586, %dma_wait3A_590] : memref<6x128xi32, #tpu.memory_space<vmem>> -> memref<1x128xi32, #tpu.memory_space<vmem>>
    %dma_wait3A_592 = tpu.memref_squeeze %dma_wait3A_591 : memref<1x128xi32, #tpu.memory_space<vmem>> -> memref<128xi32, #tpu.memory_space<vmem>>
    %dma_wait3A_593 = arith.constant 0 : i32
    %dma_wait3A_594 = arith.constant 0 : i32
    %dma_wait3A_595 = tpu.memref_slice %arg5[%dma_wait3A_593, %dma_wait3A_594] : memref<512x16xf32, #tpu.memory_space<hbm>> -> memref<512x16xf32, #tpu.memory_space<hbm>>
    tpu.wait_indirect_dma semaphore(%arg16 : memref<!tpu.dma_semaphore, #tpu.memory_space<semaphore_mem>>) src(%dma_wait3A_595 : memref<512x16xf32, #tpu.memory_space<hbm>>) dst(%dma_wait3A_589 : memref<128x16xf32, #tpu.memory_space<vmem>>)
    %mul3A_596 = arith.constant 25600 : i32
    %mul3A_597 = arith.muli %add3A, %mul3A_596 : i32
    %add3A_598 = arith.constant 0 : i32
    %add3A_599 = arith.addi %mul3A_597, %add3A_598 : i32
    %dma_wait3A_600 = arith.constant 0 : i32
    %dma_wait3A_601 = arith.constant 0 : i32
    %dma_wait3A_602 = tpu.memref_slice %arg9[%dma_wait3A_600, %dma_wait3A_601] : memref<256x128xf32, #tpu.memory_space<vmem>> -> memref<256x64xf32, #tpu.memory_space<vmem>>
    %dma_wait3A_603 = arith.constant 0 : i32
    %dma_wait3A_604 = tpu.memref_slice %arg6[%add3A_599, %dma_wait3A_603] : memref<819200x128xf32, #tpu.memory_space<hbm>> -> memref<256x64xf32, #tpu.memory_space<hbm>>
    %dma_wait3A_605 = arith.constant 0 : i32
    %dma_wait3A_606 = tpu.memref_slice %arg6[%add3A_599, %dma_wait3A_605] : memref<819200x128xf32, #tpu.memory_space<hbm>> -> memref<256x64xf32, #tpu.memory_space<hbm>>
    %dma_wait3A_607 = arith.constant 0 : i32
    %dma_wait3A_608 = arith.constant 0 : i32
    %dma_wait3A_609 = tpu.memref_slice %arg9[%dma_wait3A_607, %dma_wait3A_608] : memref<256x128xf32, #tpu.memory_space<vmem>> -> memref<256x64xf32, #tpu.memory_space<vmem>>
    tpu.wait_dma2 semaphore(%arg17 : memref<!tpu.dma_semaphore, #tpu.memory_space<semaphore_mem>>) src(%dma_wait3A_609 : memref<256x64xf32, #tpu.memory_space<vmem>>) dst(%dma_wait3A_606 : memref<256x64xf32, #tpu.memory_space<hbm>>)
    %dma_wait3A_610 = arith.constant 64 : i32
    %dma_wait3A_611 = tpu.memref_slice %arg6[%add3A_599, %dma_wait3A_610] : memref<819200x128xf32, #tpu.memory_space<hbm>> -> memref<256x16xf32, #tpu.memory_space<hbm>>
    %dma_wait3A_612 = arith.constant 64 : i32
    %dma_wait3A_613 = tpu.memref_slice %arg6[%add3A_599, %dma_wait3A_612] : memref<819200x128xf32, #tpu.memory_space<hbm>> -> memref<256x16xf32, #tpu.memory_space<hbm>>
    tpu.wait_dma2 semaphore(%arg17 : memref<!tpu.dma_semaphore, #tpu.memory_space<semaphore_mem>>) src(%arg11 : memref<256x16xf32, #tpu.memory_space<vmem>>) dst(%dma_wait3A_613 : memref<256x16xf32, #tpu.memory_space<hbm>>)
    %dma_wait3A_614 = arith.constant 80 : i32
    %dma_wait3A_615 = tpu.memref_slice %arg6[%add3A_599, %dma_wait3A_614] : memref<819200x128xf32, #tpu.memory_space<hbm>> -> memref<256x16xf32, #tpu.memory_space<hbm>>
    %dma_wait3A_616 = arith.constant 80 : i32
    %dma_wait3A_617 = tpu.memref_slice %arg6[%add3A_599, %dma_wait3A_616] : memref<819200x128xf32, #tpu.memory_space<hbm>> -> memref<256x16xf32, #tpu.memory_space<hbm>>
    tpu.wait_dma2 semaphore(%arg17 : memref<!tpu.dma_semaphore, #tpu.memory_space<semaphore_mem>>) src(%arg13 : memref<256x16xf32, #tpu.memory_space<vmem>>) dst(%dma_wait3A_617 : memref<256x16xf32, #tpu.memory_space<hbm>>)
    %mul3A_618 = arith.constant 25600 : i32
    %mul3A_619 = arith.muli %add3A, %mul3A_618 : i32
    %add3A_620 = arith.constant 25344 : i32
    %add3A_621 = arith.addi %mul3A_619, %add3A_620 : i32
    %dma_start3A_622 = arith.constant 0 : i32
    %dma_start3A_623 = arith.constant 0 : i32
    %dma_start3A_624 = tpu.memref_slice %arg10[%dma_start3A_622, %dma_start3A_623] : memref<256x128xf32, #tpu.memory_space<vmem>> -> memref<256x64xf32, #tpu.memory_space<vmem>>
    %dma_start3A_625 = arith.constant 0 : i32
    %dma_start3A_626 = tpu.memref_slice %arg6[%add3A_621, %dma_start3A_625] : memref<819200x128xf32, #tpu.memory_space<hbm>> -> memref<256x64xf32, #tpu.memory_space<hbm>>
    %dma_start3A_627 = arith.constant 0 : i32
    %dma_start3A_628 = tpu.memref_slice %arg6[%add3A_621, %dma_start3A_627] : memref<819200x128xf32, #tpu.memory_space<hbm>> -> memref<256x64xf32, #tpu.memory_space<hbm>>
    %dma_start3A_629 = arith.constant 0 : i32
    %dma_start3A_630 = arith.constant 0 : i32
    %dma_start3A_631 = tpu.memref_slice %arg10[%dma_start3A_629, %dma_start3A_630] : memref<256x128xf32, #tpu.memory_space<vmem>> -> memref<256x64xf32, #tpu.memory_space<vmem>>
    tpu.enqueue_dma source(%dma_start3A_631 : memref<256x64xf32, #tpu.memory_space<vmem>>) target(%dma_start3A_628 : memref<256x64xf32, #tpu.memory_space<hbm>>) target_semaphore(%arg18 : memref<!tpu.dma_semaphore, #tpu.memory_space<semaphore_mem>>)
    %dma_start3A_632 = arith.constant 64 : i32
    %dma_start3A_633 = tpu.memref_slice %arg6[%add3A_621, %dma_start3A_632] : memref<819200x128xf32, #tpu.memory_space<hbm>> -> memref<256x16xf32, #tpu.memory_space<hbm>>
    %dma_start3A_634 = arith.constant 64 : i32
    %dma_start3A_635 = tpu.memref_slice %arg6[%add3A_621, %dma_start3A_634] : memref<819200x128xf32, #tpu.memory_space<hbm>> -> memref<256x16xf32, #tpu.memory_space<hbm>>
    tpu.enqueue_dma source(%arg12 : memref<256x16xf32, #tpu.memory_space<vmem>>) target(%dma_start3A_635 : memref<256x16xf32, #tpu.memory_space<hbm>>) target_semaphore(%arg18 : memref<!tpu.dma_semaphore, #tpu.memory_space<semaphore_mem>>)
    %dma_start3A_636 = arith.constant 80 : i32
    %dma_start3A_637 = tpu.memref_slice %arg6[%add3A_621, %dma_start3A_636] : memref<819200x128xf32, #tpu.memory_space<hbm>> -> memref<256x16xf32, #tpu.memory_space<hbm>>
    %dma_start3A_638 = arith.constant 80 : i32
    %dma_start3A_639 = tpu.memref_slice %arg6[%add3A_621, %dma_start3A_638] : memref<819200x128xf32, #tpu.memory_space<hbm>> -> memref<256x16xf32, #tpu.memory_space<hbm>>
    tpu.enqueue_dma source(%arg14 : memref<256x16xf32, #tpu.memory_space<vmem>>) target(%dma_start3A_639 : memref<256x16xf32, #tpu.memory_space<hbm>>) target_semaphore(%arg18 : memref<!tpu.dma_semaphore, #tpu.memory_space<semaphore_mem>>)
    %mul3A_640 = arith.constant 25600 : i32
    %mul3A_641 = arith.muli %add3A, %mul3A_640 : i32
    %add3A_642 = arith.constant 0 : i32
    %add3A_643 = arith.addi %mul3A_641, %add3A_642 : i32
    %dma_wait3A_644 = arith.constant 0 : i32
    %dma_wait3A_645 = arith.constant 0 : i32
    %dma_wait3A_646 = tpu.memref_slice %arg10[%dma_wait3A_644, %dma_wait3A_645] : memref<256x128xf32, #tpu.memory_space<vmem>> -> memref<256x64xf32, #tpu.memory_space<vmem>>
    %dma_wait3A_647 = arith.constant 0 : i32
    %dma_wait3A_648 = tpu.memref_slice %arg6[%add3A_643, %dma_wait3A_647] : memref<819200x128xf32, #tpu.memory_space<hbm>> -> memref<256x64xf32, #tpu.memory_space<hbm>>
    %dma_wait3A_649 = arith.constant 0 : i32
    %dma_wait3A_650 = tpu.memref_slice %arg6[%add3A_643, %dma_wait3A_649] : memref<819200x128xf32, #tpu.memory_space<hbm>> -> memref<256x64xf32, #tpu.memory_space<hbm>>
    %dma_wait3A_651 = arith.constant 0 : i32
    %dma_wait3A_652 = arith.constant 0 : i32
    %dma_wait3A_653 = tpu.memref_slice %arg10[%dma_wait3A_651, %dma_wait3A_652] : memref<256x128xf32, #tpu.memory_space<vmem>> -> memref<256x64xf32, #tpu.memory_space<vmem>>
    tpu.wait_dma2 semaphore(%arg18 : memref<!tpu.dma_semaphore, #tpu.memory_space<semaphore_mem>>) src(%dma_wait3A_653 : memref<256x64xf32, #tpu.memory_space<vmem>>) dst(%dma_wait3A_650 : memref<256x64xf32, #tpu.memory_space<hbm>>)
    %dma_wait3A_654 = arith.constant 64 : i32
    %dma_wait3A_655 = tpu.memref_slice %arg6[%add3A_643, %dma_wait3A_654] : memref<819200x128xf32, #tpu.memory_space<hbm>> -> memref<256x16xf32, #tpu.memory_space<hbm>>
    %dma_wait3A_656 = arith.constant 64 : i32
    %dma_wait3A_657 = tpu.memref_slice %arg6[%add3A_643, %dma_wait3A_656] : memref<819200x128xf32, #tpu.memory_space<hbm>> -> memref<256x16xf32, #tpu.memory_space<hbm>>
    tpu.wait_dma2 semaphore(%arg18 : memref<!tpu.dma_semaphore, #tpu.memory_space<semaphore_mem>>) src(%arg12 : memref<256x16xf32, #tpu.memory_space<vmem>>) dst(%dma_wait3A_657 : memref<256x16xf32, #tpu.memory_space<hbm>>)
    %dma_wait3A_658 = arith.constant 80 : i32
    %dma_wait3A_659 = tpu.memref_slice %arg6[%add3A_643, %dma_wait3A_658] : memref<819200x128xf32, #tpu.memory_space<hbm>> -> memref<256x16xf32, #tpu.memory_space<hbm>>
    %dma_wait3A_660 = arith.constant 80 : i32
    %dma_wait3A_661 = tpu.memref_slice %arg6[%add3A_643, %dma_wait3A_660] : memref<819200x128xf32, #tpu.memory_space<hbm>> -> memref<256x16xf32, #tpu.memory_space<hbm>>
    tpu.wait_dma2 semaphore(%arg18 : memref<!tpu.dma_semaphore, #tpu.memory_space<semaphore_mem>>) src(%arg14 : memref<256x16xf32, #tpu.memory_space<vmem>>) dst(%dma_wait3A_661 : memref<256x16xf32, #tpu.memory_space<hbm>>)
    return
  }
}

</mosaic_0001>

<sc_bundles>
// kernel: kernel.3.cloned.1.call-start
scs
__scs_entry_jumppad:
0x0: {  	(pc) =	sbr.rel $0x88, $3  }
0x1: {  	(tag) =	ssettag $0x0;
	lr =	simm.s32 $0x1  }
0x2: {  	[smem:$0x3F9B] =	sst lr;
	_ =	strace $0xD0000000  }
0x3: {  	_ = 	snop  }
0x4: {  	_ = 	snop  }
0x5: {  	_ = 	snop  }
0x6: {  	_ = 	snop  }
0x7: {  	_ = 	snop  }
__scs_overlays_trampoline_lowered:
0x8: {  	[smem:$0x3FAA] =	sst s0  }
0x9: {  	[smem:$0x3FAB] =	sst s1  }
0xa: {  	[smem:$0x3FAC] =	sst s2  }
0xb: {  	[smem:$0x3FAD] =	sst s3  }
0xc: {  	[smem:$0x3FAE] =	sst s4  }
0xd: {  	[smem:$0x3FAF] =	sst s5  }
0xe: {  	[smem:$0x3FB0] =	sst s6  }
0xf: {  	[smem:$0x3FB1] =	sst s7  }
0x10: {  	[smem:$0x3FB2] =	sst s8  }
0x11: {  	[smem:$0x3FB3] =	sst s9;
	s0 =	simm.s32 @!p0 $0x0  }
0x12: {  	s1 =	sld [smem:$0x3F99];
	s0 =	simm.s32 @p0 $0x1  }
0x13: {  	[smem:$0x3FB4] =	sst s0;
	s0 =	simm.s32 @!p1 $0x0  }
0x14: {  	s2 =	sld [smem:$0x3F98];
	s0 =	simm.s32 @p1 $0x1  }
0x15: {  	[smem:$0x3FB5] =	sst s0;
	s0 =	simm.s32 @!p2 $0x0  }
0x16: {  	s3 =	sld [smem:$0x3FDB];
	s0 =	simm.s32 @p2 $0x1  }
0x17: {  	s4 =	simm.s32 $0x1BF5;
	[smem:$0x3FB7] =	sst s0  }
0x18: {  	s0 =	sld [smem:$0x3F9A];
	_ =	swait.ge [sflag:s4], $0x0  }
0x19: {  	s7 =	sld [smem:$0x3F9B]  }
0x1a: {  	s8 =	sadd.s32 $0xFFFFE003, lr  }
0x1b: {  	s9 =	sadd.s32 $0xFFFFFEF7, lr;
	s5 =	simm.s32 $0xFFFFFFFF;
	p2 =	slt.u32 s8, $0xFFFFF086  }
0x1c: {  	p1 =	slt.u32 s9, $0xF7A;
	s5 =	simm.s32 @!p2 $0x0  }
0x1d: {  	s5 =	simm.s32 @p1 $0x1;
	p0 =	seq.s32 s7, s2  }
0x1e: {  	s7 =	smul.u32 @!p0 $0xF7A, s2;
	p2 =	seq.s32 @!p0 s5, $0x0  }
0x1f: {  	s9 =	smul.u32 $0xF7A, s1;
	s8 =	simm.s32 @!p0 $0x1BF5;
	p2 =	por !p2, p0  }
0x20: {  	[sflag:s8] =	ssyncset.s32 @!p0 $0xFFFFF086;
	s6 =	sadd.s32 @!p0 s3, s7;
	s7 =	simm.s32 @!p0 $0x108  }
0x21: {  	s3 =	sadd.s32 s3, s9;
	s6 =	sadd.s32 @!p0 $0x88, s6;
	s7 =	simm.s32 @p2 $0x1082  }
0x22: {  	[simem:s7], [sflag:s8] =	dma.local @!p0 [hbm:s6], $0xF7A  }
0x23: {  	s9 =	sor.u32 $0xD0000000, s2;
	s6 =	simm.s32 $0x108;
	_ =	swait.ge @!p0 [sflag:s8], $0x0  }
0x24: {  	s3 =	sadd.s32 $0x88, s3;
	s6 =	simm.s32 @!p1 $0x1082;
	[sflag:s4] =	ssyncset.s32 $0xFFFFF086  }
0x25: {  	[simem:s6], [sflag:s4] =	dma.local [hbm:s3], $0xF7A  }
0x26: {  	[smem:$0x3F9B] =	sst s1;
	(tag) =	ssettag s2;
	_ =	strace s9  }
0x27: {  	s1 =	sld [smem:$0x3FAB]  }
0x28: {  	s2 =	sld [smem:$0x3FAC]  }
0x29: {  	s4 =	sld [smem:$0x3FAE]  }
0x2a: {  	p0 =	seq.s32 s5, $0x0;
	s5 =	sld [smem:$0x3FAF]  }
0x2b: {  	s6 =	sld [smem:$0x3FB0]  }
0x2c: {  	s7 =	sld [smem:$0x3FB1]  }
0x2d: {  	s3 =	simm.s32 $0x108;
	s8 =	sld [smem:$0x3FB2]  }
0x2e: {  	s3 =	simm.s32 @!p0 $0x1082;
	s9 =	sld [smem:$0x3FB3]  }
0x2f: {  	lr =	sadd.s32 s0, s3;
	s0 =	sld [smem:$0x3FAA]  }
0x30: {  	s3 =	sld [smem:$0x3FAD]  }
0x31: {  	[smem:$0x3FB6] =	sst s10  }
0x32: {  	s10 =	sld [smem:$0x3FB4];
	_ =	sdelay $0x3  }
0x33: {  	p0 =	seq.s32 s10, $0x1;
	s10 =	sld [smem:$0x3FB6];
	_ =	sdelay $0x3  }
0x34: {  	[smem:$0x3FB6] =	sst s10  }
0x35: {  	s10 =	sld [smem:$0x3FB5];
	_ =	sdelay $0x3  }
0x36: {  	p1 =	seq.s32 s10, $0x1;
	s10 =	sld [smem:$0x3FB6];
	_ =	sdelay $0x3  }
0x37: {  	[smem:$0x3FB6] =	sst s10  }
0x38: {  	s10 =	sld [smem:$0x3FB7]  }
0x39: {  	_ = 	snop;
	(pc) =	sbr.ind lr, $3  }
0x3a: {  	_ = 	snop  }
0x3b: {  	_ = 	snop  }
0x3c: {  	p2 =	seq.s32 s10, $0x1;
	s10 =	sld [smem:$0x3FB6]  }
0x3d: {  	_ =	shalt  }
0x3e: {  	_ =	shalt  }
0x3f: {  	_ =	shalt  }
0x40: {  	_ =	shalt  }
0x41: {  	_ =	shalt  }
0x42: {  	_ =	shalt  }
0x43: {  	_ =	shalt  }
0x44: {  	_ =	shalt  }
0x45: {  	_ =	shalt  }
0x46: {  	_ =	shalt  }
0x47: {  	_ =	shalt  }
0x48: {  	_ =	shalt  }
0x49: {  	_ =	shalt  }
0x4a: {  	_ =	shalt  }
0x4b: {  	_ =	shalt  }
0x4c: {  	_ =	shalt  }
0x4d: {  	_ =	shalt  }
0x4e: {  	_ =	shalt  }
0x4f: {  	_ =	shalt  }
0x50: {  	_ =	shalt  }
0x51: {  	_ =	shalt  }
0x52: {  	_ =	shalt  }
0x53: {  	_ =	shalt  }
0x54: {  	_ =	shalt  }
0x55: {  	_ =	shalt  }
0x56: {  	_ =	shalt  }
0x57: {  	_ =	shalt  }
0x58: {  	_ =	shalt  }
0x59: {  	_ =	shalt  }
0x5a: {  	_ =	shalt  }
0x5b: {  	_ =	shalt  }
0x5c: {  	_ =	shalt  }
0x5d: {  	_ =	shalt  }
0x5e: {  	_ =	shalt  }
0x5f: {  	_ =	shalt  }
0x60: {  	_ =	shalt  }
0x61: {  	_ =	shalt  }
0x62: {  	_ =	shalt  }
0x63: {  	_ =	shalt  }
0x64: {  	_ =	shalt  }
0x65: {  	_ =	shalt  }
0x66: {  	_ =	shalt  }
0x67: {  	_ =	shalt  }
0x68: {  	_ =	shalt  }
0x69: {  	_ =	shalt  }
0x6a: {  	_ =	shalt  }
0x6b: {  	_ =	shalt  }
0x6c: {  	_ =	shalt  }
0x6d: {  	_ =	shalt  }
0x6e: {  	_ =	shalt  }
0x6f: {  	_ =	shalt  }
0x70: {  	_ =	shalt  }
0x71: {  	_ =	shalt  }
0x72: {  	_ =	shalt  }
0x73: {  	_ =	shalt  }
0x74: {  	_ =	shalt  }
0x75: {  	_ =	shalt  }
0x76: {  	_ =	shalt  }
0x77: {  	_ =	shalt  }
0x78: {  	_ =	shalt  }
0x79: {  	_ =	shalt  }
0x7a: {  	_ =	shalt  }
0x7b: {  	_ =	shalt  }
0x7c: {  	_ =	shalt  }
0x7d: {  	_ =	shalt  }
0x7e: {  	_ =	shalt  }
0x7f: {  	_ =	shalt  }
0x80: {  	_ =	shalt  }
0x81: {  	_ =	shalt  }
0x82: {  	_ =	shalt  }
0x83: {  	_ =	shalt  }
0x84: {  	_ =	shalt  }
0x85: {  	_ =	shalt  }
0x86: {  	_ =	shalt  }
0x87: {  	_ =	shalt  }
.Lfunc_end0:
.L_simem_size_0:
called_computation.1_lowered:
.L_overlay_start_0:
0x88: {  	s2 =	sld [smem:$0x3FD9]  }
0x89: {  	s3 =	sld [smem:$0x3FFE];
	_ =	sdelay $0x1  }
0x8a: {  	s1 =	srdreg.scid  }
0x8b: {  	s0 =	sand.u32 $0x1, s1  }
0x8c: {  	s17 =	sshll.u32 s0, $0xA;
	s2 =	sadd.s32 s3, s2  }
0x8d: {  	s2 =	sadd.s32 s2, s17  }
0x8e: {  	[smem:$0x3FC2] =	sst s2  }
0x8f: {  	_ = 	snop  }
0x90: {  	s2 =	sld [smem:$0x3FD0];
	(tm) =	ssettm $0x1  }
0x91: {  	s18 =	sld [smem:$0x3FFB];
	_ =	sdelay $0x3  }
0x92: {  	_ =	strace s18  }
0x93: {  	s3 =	sld [smem:$0x3FFC];
	_ =	sdelay $0x3  }
0x94: {  	_ =	strace s3  }
0x95: {  	s3 =	sld [smem:$0x3FFD];
	_ =	sdelay $0x3  }
0x96: {  	_ =	strace s3  }
0x97: {  	_ =	strace $0x8FFFFFFF  }
0x98: {  	s19 =	sld [smem:$0x3FDB];
	_ =	sdelay $0x1  }
0x99: {  	s4 =	simm.s32 $_scs_section_size  }
0x9a: {  	s5 =	simm.s32 $_size__tile_overlayer_lowered;
	s6 =	simm.s32 $_tile_overlayer_lowered  }
0x9b: {  	s22 =	simm.s32 $0x1BFF;
	s21 =	sshll.u32 s6, $0x1;
	s3 =	sadd.s32 s4, s19  }
0x9c: {  	s7 =	simm.s32 $0x0;
	s20 =	sshll.u32 s5, $0x1;
	s5 =	sadd.s32 s21, s3  }
0x9d: {  	[timem:s7], [sflag:s22] =	dma.local [hbm:s5], s20  }
0x9e: {  	_ =	swait.ge [sflag:s22], s20  }
0x9f: {  	s4 =	ssub.s32 $0x0, s20;
	[sflag:s22] =	ssyncset.done $0x0  }
0xa0: {  	[sflag:s22] =	ssyncadd.s32 s4;
	_ =	sdelay $0x1  }
0xa1: {  	s23 =	simm.s32 $0x1B8B  }
0xa2: {  	_ =	swait.ge [sflag:s23], $0x1  }
0xa3: {  	[sflag:s23] =	ssyncset.done $0x0  }
0xa4: {  	s25 =	simm.s32 $0x1B8E;
	s24 =	sld [smem:$0x3FFE];
	[sflag:s23] =	ssyncadd.s32 $0xFFFFFFFF  }
0xa5: {  	s26 =	simm.s32 $execute0_lowered;
	[smem:$0x3FD2] =	sst s25  }
0xa6: {  	s5 =	sshll.u32 s26, $0x1;
	_ =	strace $0x80000046;
	[dreg:$0x1] =	wrdreg $0xFFFFFFFF  }
0xa7: {  	s28 =	simm.s32 $_size_execute0_lowered;
	s3 =	sadd.s32 s3, s5;
	[dreg:$0x0] =	wrdreg $0x0  }
0xa8: {  	s5 =	sshll.u32 s28, $0x1;
	[dreg:$0x2] =	wrdreg s3  }
0xa9: {  	[dreg:$0x3] =	wrdreg s5  }
0xaa: {  	[dreg:$0x4] =	wrdreg $0xC0  }
0xab: {  	_ =	task [dreg:s7], $0x5FFFF  }
0xac: {  	[dreg:$0x1] =	wrdreg $0xFFFFFFFF  }
0xad: {  	[dreg:$0x0] =	wrdreg $0x60  }
0xae: {  	[dreg:$0x2] =	wrdreg s2  }
0xaf: {  	[dreg:$0x3] =	wrdreg s24  }
0xb0: {  	[dreg:$0x4] =	wrdreg $0x9  }
0xb1: {  	_ =	task.clear_ibuf [dreg:s7], $0x5FFFF;
	_ =	strace $0x90000046  }
0xb2: {  	s29 =	simm.s32 $0x9;
	_ =	strace $0x80000048  }
0xb3: {  	_ =	swait.ge [sflag:s29], $0x1  }
0xb4: {  	[sflag:s29] =	ssyncadd.s32 $0xFFFFFFFF  }
0xb5: {  	_ =	strace $0x90000048  }
0xb6: {  	_ =	sfence  }
0xb7: {  	s30 =	sld [smem:$0x0];
	_ =	sdelay $0x2  }
0xb8: {  	s31 =	sshll.u32 s1, $0xD;
	s1 =	sshrl.u32 s1, $0x2  }
0xb9: {  	s3 =	sand.u32 $0x4000, s31;
	s1 =	sadd.s32 s1, s30  }
0xba: {  	s0 =	sor.u32 s3, s0;
	s1 =	sshll.u32 s1, $0x11  }
0xbb: {  	s0 =	sor.u32 s1, s0  }
0xbc: {  	s0 =	sadd.s32 $0x8F2B, s0  }
0xbd: {  	[sflag:s0] =	ssyncadd.remote.s32 $0x1  }
0xbe: {  	_ =	sfence.sel $0xFFFF  }
0xbf: {  	[dreg:$0x0] =	wrdreg $0xFFFFFFFF;
	(pc) =	sbr.abs _section_cstart, $3  }
0xc0: {  	[dreg:$0x1] =	wrdreg $0xFFFFFFFF  }
0xc1: {  	_ =	task.clear_ibuf [dreg:s7], $0x2FFFF;
	_ =	strace $0x9FFFFFFF  }
0xc2: {  	(tm) =	ssettm $0x7FFFFFFF  }
0xc3: {  	_ =	shalt  }
tec
execute0_lowered:
.L_overlay_start_1:
0x0: {  	(tag) =	ssettag $0x1  }
0x1: {  	s10 =	rddreg [dreg:$0x0]  }
0x2: {  	s0 =	rddreg [dreg:$0x1];
	s3 =	simm.s32 $0x0;
	s1 =	srdreg.scid  }
0x3: {  	s2 =	stileid.u32;
	s31 =	simm.s32 $0x5;
	s29 =	simm.s32 $0x300  }
0x4: {  	[smem:$0x7FF] =	sst s3;
	s1 =	sand.u32 $0x1, s1;
	s2 =	sshll.u32 s2, $0x1  }
0x5: {  	s4 =	sadd.s32 $0xF43E00, s0;
	s5 =	sadd.s32 $0xF43A00, s0;
	s2 =	sor.u32 s1, s2  }
0x6: {  	s11 =	sadd.s32 $0x1208, s0;
	s1 =	ssub.s32 $0x2, s1;
	s13 =	smul.u32 $0x12C00, s2  }
0x7: {  	_ =	strace $0x80000047;
	s6 =	sshrl.u32 s1, $0x1;
	s8 =	smul.u32 $0x320000, s2  }
0x8: {  	s1 =	ssub.s32 s1, s6;
	[dreg:$0x3] =	wrdreg s13;
	s17 =	sadd.s32 $0x600, s13  }
0x9: {  	s15 =	sshrl.u32 s8, $0x3;
	s24 =	smax.u32 s1, $0x1;
	[dreg:$0x8] =	wrdreg s17  }
0xa: {  	s26 =	sshrl.u32 s13, $0x3;
	s14 =	sadd.s32 s15, s11;
	[dreg:$0xe] =	wrdreg s24  }
0xb: {  	s9 =	sadd.s32 $0x1200, s0;
	s30 =	sadd.s32 s10, s26;
	[dreg:$0x5] =	wrdreg s14  }
0xc: {  	s12 =	sadd.s32 s9, s15;
	s16 =	sadd.s32 $0x60, s30;
	[dreg:$0x4] =	wrdreg s30  }
0xd: {  	s7 =	sadd.s32 $0xF43600, s0;
	s19 =	sadd.s32 $0x1008, s12;
	[dreg:$0x7] =	wrdreg s16  }
0xe: {  	s2 =	simm.s32 $0x2;
	s20 =	sadd.s32 $0x100A, s12;
	[dreg:$0x9] =	wrdreg s19  }
0xf: {  	s6 =	simm.s32 $0x0;
	s21 =	sadd.s32 $0x62008, s12;
	[dreg:$0xa] =	wrdreg s20  }
0x10: {  	s13 =	simm.s32 $0x10600;
	s23 =	sadd.s32 $0x6200A, s12;
	[dreg:$0xc] =	wrdreg s21  }
0x11: {  	s14 =	sadd.s32 $0x120A, s0;
	s25 =	sadd.s32 $0x2520, s30;
	[dreg:$0xd] =	wrdreg s23  }
0x12: {  	s18 =	sadd.s32 $0x1000, s12;
	s26 =	sadd.s32 $0x63008, s12;
	[dreg:$0xf] =	wrdreg s25  }
0x13: {  	s22 =	sadd.s32 $0x62000, s12;
	s30 =	sadd.s32 $0x6300A, s12;
	[dreg:$0x10] =	wrdreg s26  }
0x14: {  	s28 =	sadd.s32 $0x63000, s12;
	s0 =	sadd.s32 s15, s14;
	[dreg:$0x11] =	wrdreg s30  }
0x15: {  	s16 =	simm.s32 $0x12600;
	s25 =	simm.s32 $0x1;
	s26 =	simm.s32 $0x10  }
0x16: {  	s15 =	simm.s32 $0x13600;
	[dreg:$0x6] =	wrdreg s0;
	s0 =	sshrl.u32 s17, $0x3  }
0x17: {  	s19 =	simm.s32 $0x3;
	s21 =	simm.s32 $0x4;
	s0 =	sadd.s32 s10, s0  }
0x18: {  	s10 =	simm.s32 $0x11600;
	[dreg:$0xb] =	wrdreg s0;
	s0 =	simm.s32 $0x80  }
.LBB2_1:
0x19: {  	[dreg:$0x12] =	wrdreg s6  }
0x1a: {  	s1 =	rddreg [dreg:$0x4]  }
0x1b: {  	[tilespmem:s3], [sflag:$0x5] =	stream.linear.gather [hbm4b:s1+s3], $0x300, $0x38;
	[tilespmem:$0x14600] =	vst v63  }
0x1c: {  	_ =	swait.ge [sflag:s31], $0x300  }
0x1d: {  	[sflag:s31] =	ssyncset.done $0x0  }
0x1e: {  	s24 =	simm.s32 $0x600;
	[sflag:s31] =	ssyncadd.s32 $0xFFFFFD00  }
0x1f: {  	[tilespmem:s24], [sflag:$0x1] =	stream.indirect.gather [hbm4b:s4+s0], $0x80, s3, s0, $0xb8;
	[tilespmem:$0x14600] =	vst v63  }
0x20: {  	s30 =	simm.s32 $0x100  }
0x21: {  	[tilespmem:s13], [sflag:$0x1] =	stream.indirect.gather [hbm4b:s5+s0], $0x10, s30, s0, $0xb8;
	[tilespmem:$0x14600] =	vst v63  }
0x22: {  	s6 =	simm.s32 $0x200  }
0x23: {  	[tilespmem:s16], [sflag:$0x1] =	stream.indirect.gather [hbm4b:s7+s0], $0x10, s6, s0, $0xb8;
	[tilespmem:$0x14600] =	vst v63  }
0x24: {  	s17 =	simm.s32 $0x4600  }
0x25: {  	[tilespmem:s17], [sflag:$0x1] =	stream.indirect.gather [hbm4b:s4+s0], $0x80, s0, s0, $0xb8;
	[tilespmem:$0x14600] =	vst v63  }
0x26: {  	s20 =	simm.s32 $0x180;
	s23 =	simm.s32 $0x10E00  }
0x27: {  	[tilespmem:s23], [sflag:$0x1] =	stream.indirect.gather [hbm4b:s5+s0], $0x10, s20, s0, $0xb8;
	[tilespmem:$0x14600] =	vst v63  }
0x28: {  	s24 =	simm.s32 $0x280;
	s30 =	simm.s32 $0x12E00  }
0x29: {  	[tilespmem:s30], [sflag:$0x1] =	stream.indirect.gather [hbm4b:s7+s0], $0x10, s24, s0, $0xb8;
	[tilespmem:$0x14600] =	vst v63  }
0x2a: {  	_ =	swait.ge [sflag:s25], $0x4000  }
0x2b: {  	[sflag:s25] =	ssyncset.done $0x0  }
0x2c: {  	[sflag:s25] =	ssyncadd.s32 $0xFFFFC000  }
0x2d: {  	_ =	swait.ge [sflag:s25], $0x800  }
0x2e: {  	[sflag:s25] =	ssyncset.done $0x0  }
0x2f: {  	[sflag:s25] =	ssyncadd.s32 $0xFFFFF800  }
0x30: {  	_ =	swait.ge [sflag:s25], $0x800  }
0x31: {  	[sflag:s25] =	ssyncset.done $0x0  }
0x32: {  	[sflag:s25] =	ssyncadd.s32 $0xFFFFF800  }
0x33: {  	_ =	swait.ge [sflag:s25], $0x4000  }
0x34: {  	[sflag:s25] =	ssyncset.done $0x0  }
0x35: {  	[sflag:s25] =	ssyncadd.s32 $0xFFFFC000  }
0x36: {  	_ =	swait.ge [sflag:s25], $0x800  }
0x37: {  	[sflag:s25] =	ssyncset.done $0x0  }
0x38: {  	[sflag:s25] =	ssyncadd.s32 $0xFFFFF800  }
0x39: {  	_ =	swait.ge [sflag:s25], $0x800  }
0x3a: {  	s1 =	simm.s32 $0x680;
	s6 =	simm.s32 $0x600;
	[sflag:s25] =	ssyncset.done $0x0  }
0x3b: {  	s20 =	simm.s32 $0x10;
	s23 =	sadd.s32 $0x0, s12;
	[sflag:s25] =	ssyncadd.s32 $0xFFFFF800  }
.LBB2_2:
0x3c: {  	[hbm4b:s23+s3] =	stream.linear.scatter [tilespmem:s6], [sflag:$0x3], $0x40, $0x38;
	[tilespmem:$0x14600] =	vst v63  }
0x3d: {  	s17 =	smov.u32 s20;
	s6 =	smov.u32 s1;
	p0 =	sne.s32 s20, $0xFF0  }
.Ltmp0:
0x3e: {  	s20 =	sadd.s32 $0x10, s20;
	(pc) =	sbr.rel @p0 .LBB2_2-.Ltmp0, $2  }
0x3f: {  	_ =	sdelay $0x2  }
0x40: {  	s1 =	sadd.s32 $0x80, s1;
	s23 =	sadd.s32 s17, s12  }
0x41: {  	[hbm4b:s23+s3] =	stream.linear.scatter [tilespmem:s6], [sflag:$0x3], $0x40, $0x38;
	[tilespmem:$0x14600] =	vst v63  }
0x42: {  	s1 =	rddreg [dreg:$0x5]  }
0x43: {  	[hbm4b:s1+s26] =	stream.strided.scatter [tilespmem:s13], [sflag:$0x3], $0x1000, s0, s26, $0x38;
	[tilespmem:$0x14600] =	vst v63  }
0x44: {  	s23 =	rddreg [dreg:$0x6]  }
0x45: {  	[hbm4b:s23+s26] =	stream.strided.scatter [tilespmem:s16], [sflag:$0x3], $0x1000, s0, s26, $0x38;
	[tilespmem:$0x14600] =	vst v63  }
0x46: {  	s24 =	simm.s32 $0x0;
	s30 =	rddreg [dreg:$0x7]  }
0x47: {  	[tilespmem:s29], [sflag:$0x5] =	stream.linear.gather [hbm4b:s30+s24], $0x300, $0x38;
	[tilespmem:$0x14600] =	vst v63  }
0x48: {  	_ =	swait.ge [sflag:s31], $0x300  }
0x49: {  	[sflag:s31] =	ssyncset.done $0x0  }
0x4a: {  	s23 =	simm.s32 $0x8600;
	[sflag:s31] =	ssyncadd.s32 $0xFFFFFD00  }
0x4b: {  	[tilespmem:s23], [sflag:$0x2] =	stream.indirect.gather [hbm4b:s4+s0], $0x80, s29, s0, $0xb8;
	[tilespmem:$0x14600] =	vst v63  }
0x4c: {  	s17 =	simm.s32 $0x400  }
0x4d: {  	[tilespmem:s10], [sflag:$0x2] =	stream.indirect.gather [hbm4b:s5+s0], $0x10, s17, s0, $0xb8;
	[tilespmem:$0x14600] =	vst v63  }
0x4e: {  	s20 =	simm.s32 $0x500  }
0x4f: {  	[tilespmem:s15], [sflag:$0x2] =	stream.indirect.gather [hbm4b:s7+s0], $0x10, s20, s0, $0xb8;
	[tilespmem:$0x14600] =	vst v63  }
0x50: {  	s24 =	simm.s32 $0x380;
	s30 =	simm.s32 $0xC600  }
0x51: {  	[tilespmem:s30], [sflag:$0x2] =	stream.indirect.gather [hbm4b:s4+s0], $0x80, s24, s0, $0xb8;
	[tilespmem:$0x14600] =	vst v63  }
0x52: {  	s17 =	simm.s32 $0x480;
	s20 =	simm.s32 $0x11E00  }
0x53: {  	[tilespmem:s20], [sflag:$0x2] =	stream.indirect.gather [hbm4b:s5+s0], $0x10, s17, s0, $0xb8;
	[tilespmem:$0x14600] =	vst v63  }
0x54: {  	s24 =	simm.s32 $0x580;
	s30 =	simm.s32 $0x13E00  }
0x55: {  	[tilespmem:s30], [sflag:$0x2] =	stream.indirect.gather [hbm4b:s7+s0], $0x10, s24, s0, $0xb8;
	[tilespmem:$0x14600] =	vst v63  }
0x56: {  	_ =	swait.ge [sflag:s2], $0x4000  }
0x57: {  	[sflag:s2] =	ssyncset.done $0x0  }
0x58: {  	[sflag:s2] =	ssyncadd.s32 $0xFFFFC000  }
0x59: {  	_ =	swait.ge [sflag:s2], $0x800  }
0x5a: {  	[sflag:s2] =	ssyncset.done $0x0  }
0x5b: {  	[sflag:s2] =	ssyncadd.s32 $0xFFFFF800  }
0x5c: {  	_ =	swait.ge [sflag:s2], $0x800  }
0x5d: {  	[sflag:s2] =	ssyncset.done $0x0  }
0x5e: {  	[sflag:s2] =	ssyncadd.s32 $0xFFFFF800  }
0x5f: {  	_ =	swait.ge [sflag:s2], $0x4000  }
0x60: {  	[sflag:s2] =	ssyncset.done $0x0  }
0x61: {  	[sflag:s2] =	ssyncadd.s32 $0xFFFFC000  }
0x62: {  	_ =	swait.ge [sflag:s2], $0x800  }
0x63: {  	[sflag:s2] =	ssyncset.done $0x0  }
0x64: {  	[sflag:s2] =	ssyncadd.s32 $0xFFFFF800  }
0x65: {  	_ =	swait.ge [sflag:s2], $0x800  }
0x66: {  	[sflag:s2] =	ssyncset.done $0x0  }
0x67: {  	[sflag:s2] =	ssyncadd.s32 $0xFFFFF800  }
0x68: {  	_ =	swait.ge [sflag:s19], $0x4000  }
0x69: {  	[sflag:s19] =	ssyncset.done $0x0  }
0x6a: {  	[sflag:s19] =	ssyncadd.s32 $0xFFFFC000  }
0x6b: {  	_ =	swait.ge [sflag:s19], $0x1000  }
0x6c: {  	[sflag:s19] =	ssyncset.done $0x0  }
0x6d: {  	[sflag:s19] =	ssyncadd.s32 $0xFFFFF000  }
0x6e: {  	_ =	swait.ge [sflag:s19], $0x1000  }
0x6f: {  	s6 =	sadd.s32 $0x0, s18;
	[sflag:s19] =	ssyncset.done $0x0  }
0x70: {  	s1 =	simm.s32 $0x8680;
	s20 =	simm.s32 $0x10;
	[sflag:s19] =	ssyncadd.s32 $0xFFFFF000  }
.LBB2_4:
0x71: {  	[hbm4b:s6+s3] =	stream.linear.scatter [tilespmem:s23], [sflag:$0x4], $0x40, $0x38;
	[tilespmem:$0x14600] =	vst v63  }
0x72: {  	s6 =	smov.u32 s20;
	s23 =	smov.u32 s1;
	p0 =	sne.s32 s20, $0xFF0  }
.Ltmp1:
0x73: {  	s20 =	sadd.s32 $0x10, s20;
	(pc) =	sbr.rel @p0 .LBB2_4-.Ltmp1, $2  }
0x74: {  	_ =	sdelay $0x2  }
0x75: {  	s1 =	sadd.s32 $0x80, s1;
	s6 =	sadd.s32 s6, s18  }
0x76: {  	[hbm4b:s6+s3] =	stream.linear.scatter [tilespmem:s23], [sflag:$0x4], $0x40, $0x38;
	[tilespmem:$0x14600] =	vst v63  }
0x77: {  	s1 =	rddreg [dreg:$0x9]  }
0x78: {  	[hbm4b:s1+s26] =	stream.strided.scatter [tilespmem:s10], [sflag:$0x4], $0x1000, s0, s26, $0x38;
	[tilespmem:$0x14600] =	vst v63  }
0x79: {  	s6 =	rddreg [dreg:$0xa]  }
0x7a: {  	[hbm4b:s6+s26] =	stream.strided.scatter [tilespmem:s15], [sflag:$0x4], $0x1000, s0, s26, $0x38;
	[tilespmem:$0x14600] =	vst v63  }
0x7b: {  	s23 =	simm.s32 $0x0;
	s17 =	rddreg [dreg:$0xb]  }
0x7c: {  	[tilespmem:s23], [sflag:$0x5] =	stream.linear.gather [hbm4b:s17+s23], $0x300, $0x38;
	[tilespmem:$0x14600] =	vst v63  }
0x7d: {  	_ =	swait.ge [sflag:s31], $0x300  }
0x7e: {  	[sflag:s31] =	ssyncset.done $0x0  }
0x7f: {  	s20 =	simm.s32 $0x600;
	[sflag:s31] =	ssyncadd.s32 $0xFFFFFD00  }
0x80: {  	[tilespmem:s20], [sflag:$0x1] =	stream.indirect.gather [hbm4b:s4+s0], $0x80, s23, s0, $0xb8;
	[tilespmem:$0x14600] =	vst v63  }
0x81: {  	s24 =	simm.s32 $0x100  }
0x82: {  	[tilespmem:s13], [sflag:$0x1] =	stream.indirect.gather [hbm4b:s5+s0], $0x10, s24, s0, $0xb8;
	[tilespmem:$0x14600] =	vst v63  }
0x83: {  	s30 =	simm.s32 $0x200  }
0x84: {  	[tilespmem:s16], [sflag:$0x1] =	stream.indirect.gather [hbm4b:s7+s0], $0x10, s30, s0, $0xb8;
	[tilespmem:$0x14600] =	vst v63  }
0x85: {  	s6 =	simm.s32 $0x4600  }
0x86: {  	[tilespmem:s6], [sflag:$0x1] =	stream.indirect.gather [hbm4b:s4+s0], $0x80, s0, s0, $0xb8;
	[tilespmem:$0x14600] =	vst v63  }
0x87: {  	s17 =	simm.s32 $0x180;
	s20 =	simm.s32 $0x10E00  }
0x88: {  	[tilespmem:s20], [sflag:$0x1] =	stream.indirect.gather [hbm4b:s5+s0], $0x10, s17, s0, $0xb8;
	[tilespmem:$0x14600] =	vst v63  }
0x89: {  	s24 =	simm.s32 $0x280;
	s30 =	simm.s32 $0x12E00  }
0x8a: {  	[tilespmem:s30], [sflag:$0x1] =	stream.indirect.gather [hbm4b:s7+s0], $0x10, s24, s0, $0xb8;
	[tilespmem:$0x14600] =	vst v63  }
.LBB2_6:
0x8b: {  	_ =	swait.ge [sflag:s25], $0x4000  }
0x8c: {  	[sflag:s25] =	ssyncset.done $0x0  }
0x8d: {  	[sflag:s25] =	ssyncadd.s32 $0xFFFFC000  }
0x8e: {  	_ =	swait.ge [sflag:s25], $0x800  }
0x8f: {  	[sflag:s25] =	ssyncset.done $0x0  }
0x90: {  	[sflag:s25] =	ssyncadd.s32 $0xFFFFF800  }
0x91: {  	_ =	swait.ge [sflag:s25], $0x800  }
0x92: {  	[sflag:s25] =	ssyncset.done $0x0  }
0x93: {  	[sflag:s25] =	ssyncadd.s32 $0xFFFFF800  }
0x94: {  	_ =	swait.ge [sflag:s25], $0x4000  }
0x95: {  	[sflag:s25] =	ssyncset.done $0x0  }
0x96: {  	[sflag:s25] =	ssyncadd.s32 $0xFFFFC000  }
0x97: {  	_ =	swait.ge [sflag:s25], $0x800  }
0x98: {  	[sflag:s25] =	ssyncset.done $0x0  }
0x99: {  	[sflag:s25] =	ssyncadd.s32 $0xFFFFF800  }
0x9a: {  	_ =	swait.ge [sflag:s25], $0x800  }
0x9b: {  	[sflag:s25] =	ssyncset.done $0x0  }
0x9c: {  	[sflag:s25] =	ssyncadd.s32 $0xFFFFF800  }
0x9d: {  	_ =	swait.ge [sflag:s21], $0x4000  }
0x9e: {  	[sflag:s21] =	ssyncset.done $0x0  }
0x9f: {  	[sflag:s21] =	ssyncadd.s32 $0xFFFFC000  }
0xa0: {  	s23 =	sadd.s32 $0x1, s23;
	_ =	swait.ge [sflag:s21], $0x1000  }
0xa1: {  	s1 =	sshll.u32 s23, $0x10;
	[sflag:s21] =	ssyncset.done $0x0  }
0xa2: {  	s1 =	sadd.s32 s8, s1;
	[sflag:s21] =	ssyncadd.s32 $0xFFFFF000  }
0xa3: {  	s20 =	simm.s32 $0x600;
	s24 =	sshrl.u32 s1, $0x3;
	_ =	swait.ge [sflag:s21], $0x1000  }
0xa4: {  	s6 =	simm.s32 $0x680;
	s30 =	sadd.s32 s9, s24;
	[sflag:s21] =	ssyncset.done $0x0  }
0xa5: {  	s1 =	simm.s32 $0x10;
	s17 =	sadd.s32 $0x0, s30;
	[sflag:s21] =	ssyncadd.s32 $0xFFFFF000  }
.LBB2_7:
0xa6: {  	[hbm4b:s17+s3] =	stream.linear.scatter [tilespmem:s20], [sflag:$0x3], $0x40, $0x38;
	[tilespmem:$0x14600] =	vst v63  }
0xa7: {  	s17 =	smov.u32 s1;
	s20 =	smov.u32 s6;
	p0 =	sne.s32 s1, $0xFF0  }
.Ltmp2:
0xa8: {  	s1 =	sadd.s32 $0x10, s1;
	(pc) =	sbr.rel @p0 .LBB2_7-.Ltmp2, $2  }
0xa9: {  	_ =	sdelay $0x2  }
0xaa: {  	s6 =	sadd.s32 $0x80, s6;
	s17 =	sadd.s32 s17, s30  }
0xab: {  	[hbm4b:s17+s3] =	stream.linear.scatter [tilespmem:s20], [sflag:$0x3], $0x40, $0x38;
	[tilespmem:$0x14600] =	vst v63  }
0xac: {  	s1 =	sadd.s32 s24, s11  }
0xad: {  	[hbm4b:s1+s26] =	stream.strided.scatter [tilespmem:s13], [sflag:$0x3], $0x1000, s0, s26, $0x38;
	[tilespmem:$0x14600] =	vst v63  }
0xae: {  	s1 =	sshllo.u32 s23, $0x1  }
0xaf: {  	s6 =	sadd.s32 s24, s14;
	s24 =	rddreg [dreg:$0x3];
	s20 =	smul.u32 $0x300, s1  }
0xb0: {  	[hbm4b:s6+s26] =	stream.strided.scatter [tilespmem:s16], [sflag:$0x3], $0x1000, s0, s26, $0x38;
	[tilespmem:$0x14600] =	vst v63  }
0xb1: {  	s6 =	sadd.s32 s24, s20  }
0xb2: {  	s20 =	rddreg [dreg:$0x0];
	s6 =	sshrl.u32 s6, $0x3  }
0xb3: {  	s24 =	simm.s32 $0x0;
	s6 =	sadd.s32 s20, s6  }
0xb4: {  	[tilespmem:s29], [sflag:$0x5] =	stream.linear.gather [hbm4b:s6+s24], $0x300, $0x38;
	[tilespmem:$0x14600] =	vst v63  }
0xb5: {  	_ =	swait.ge [sflag:s31], $0x300  }
0xb6: {  	[sflag:s31] =	ssyncset.done $0x0  }
0xb7: {  	s24 =	simm.s32 $0x8600;
	[sflag:s31] =	ssyncadd.s32 $0xFFFFFD00  }
0xb8: {  	[tilespmem:s24], [sflag:$0x2] =	stream.indirect.gather [hbm4b:s4+s0], $0x80, s29, s0, $0xb8;
	[tilespmem:$0x14600] =	vst v63  }
0xb9: {  	s17 =	simm.s32 $0x400  }
0xba: {  	[tilespmem:s10], [sflag:$0x2] =	stream.indirect.gather [hbm4b:s5+s0], $0x10, s17, s0, $0xb8;
	[tilespmem:$0x14600] =	vst v63  }
0xbb: {  	s20 =	simm.s32 $0x500  }
0xbc: {  	[tilespmem:s15], [sflag:$0x2] =	stream.indirect.gather [hbm4b:s7+s0], $0x10, s20, s0, $0xb8;
	[tilespmem:$0x14600] =	vst v63  }
0xbd: {  	s17 =	simm.s32 $0x380;
	s20 =	simm.s32 $0xC600  }
0xbe: {  	[tilespmem:s20], [sflag:$0x2] =	stream.indirect.gather [hbm4b:s4+s0], $0x80, s17, s0, $0xb8;
	[tilespmem:$0x14600] =	vst v63  }
0xbf: {  	s17 =	simm.s32 $0x480;
	s20 =	simm.s32 $0x11E00  }
0xc0: {  	[tilespmem:s20], [sflag:$0x2] =	stream.indirect.gather [hbm4b:s5+s0], $0x10, s17, s0, $0xb8;
	[tilespmem:$0x14600] =	vst v63  }
0xc1: {  	s17 =	simm.s32 $0x580;
	s20 =	simm.s32 $0x13E00  }
0xc2: {  	[tilespmem:s20], [sflag:$0x2] =	stream.indirect.gather [hbm4b:s7+s0], $0x10, s17, s0, $0xb8;
	[tilespmem:$0x14600] =	vst v63  }
0xc3: {  	_ =	swait.ge [sflag:s2], $0x4000  }
0xc4: {  	[sflag:s2] =	ssyncset.done $0x0  }
0xc5: {  	[sflag:s2] =	ssyncadd.s32 $0xFFFFC000  }
0xc6: {  	_ =	swait.ge [sflag:s2], $0x800  }
0xc7: {  	[sflag:s2] =	ssyncset.done $0x0  }
0xc8: {  	[sflag:s2] =	ssyncadd.s32 $0xFFFFF800  }
0xc9: {  	_ =	swait.ge [sflag:s2], $0x800  }
0xca: {  	[sflag:s2] =	ssyncset.done $0x0  }
0xcb: {  	[sflag:s2] =	ssyncadd.s32 $0xFFFFF800  }
0xcc: {  	_ =	swait.ge [sflag:s2], $0x4000  }
0xcd: {  	[sflag:s2] =	ssyncset.done $0x0  }
0xce: {  	[sflag:s2] =	ssyncadd.s32 $0xFFFFC000  }
0xcf: {  	_ =	swait.ge [sflag:s2], $0x800  }
0xd0: {  	[sflag:s2] =	ssyncset.done $0x0  }
0xd1: {  	[sflag:s2] =	ssyncadd.s32 $0xFFFFF800  }
0xd2: {  	_ =	swait.ge [sflag:s2], $0x800  }
0xd3: {  	[sflag:s2] =	ssyncset.done $0x0  }
0xd4: {  	[sflag:s2] =	ssyncadd.s32 $0xFFFFF800  }
0xd5: {  	_ =	swait.ge [sflag:s19], $0x4000  }
0xd6: {  	[sflag:s19] =	ssyncset.done $0x0  }
0xd7: {  	[sflag:s19] =	ssyncadd.s32 $0xFFFFC000  }
0xd8: {  	_ =	swait.ge [sflag:s19], $0x1000  }
0xd9: {  	s1 =	sshll.u32 s1, $0xF;
	[sflag:s19] =	ssyncset.done $0x0  }
0xda: {  	s1 =	sadd.s32 s8, s1;
	[sflag:s19] =	ssyncadd.s32 $0xFFFFF000  }
0xdb: {  	s30 =	sshrl.u32 s1, $0x3;
	_ =	swait.ge [sflag:s19], $0x1000  }
0xdc: {  	s1 =	simm.s32 $0x10;
	s20 =	sadd.s32 s9, s30;
	[sflag:s19] =	ssyncset.done $0x0  }
0xdd: {  	s6 =	simm.s32 $0x8680;
	s17 =	sadd.s32 $0x0, s20;
	[sflag:s19] =	ssyncadd.s32 $0xFFFFF000  }
.LBB2_9:
0xde: {  	[hbm4b:s17+s3] =	stream.linear.scatter [tilespmem:s24], [sflag:$0x4], $0x40, $0x38;
	[tilespmem:$0x14600] =	vst v63  }
0xdf: {  	s17 =	smov.u32 s1;
	s24 =	smov.u32 s6;
	p0 =	sne.s32 s1, $0xFF0  }
.Ltmp3:
0xe0: {  	s1 =	sadd.s32 $0x10, s1;
	(pc) =	sbr.rel @p0 .LBB2_9-.Ltmp3, $2  }
0xe1: {  	_ =	sdelay $0x2  }
0xe2: {  	s6 =	sadd.s32 $0x80, s6;
	s17 =	sadd.s32 s17, s20  }
0xe3: {  	[hbm4b:s17+s3] =	stream.linear.scatter [tilespmem:s24], [sflag:$0x4], $0x40, $0x38;
	[tilespmem:$0x14600] =	vst v63  }
0xe4: {  	s1 =	sadd.s32 s30, s11  }
0xe5: {  	s24 =	sadd.s32 s30, s14;
	s6 =	smul.u32 $0x600, s23;
	s30 =	rddreg [dreg:$0x8]  }
0xe6: {  	[hbm4b:s1+s26] =	stream.strided.scatter [tilespmem:s10], [sflag:$0x4], $0x1000, s0, s26, $0x38;
	[tilespmem:$0x14600] =	vst v63  }
0xe7: {  	s1 =	sadd.s32 s6, s30  }
0xe8: {  	s17 =	rddreg [dreg:$0x0];
	s1 =	sshrl.u32 s1, $0x3  }
0xe9: {  	[hbm4b:s24+s26] =	stream.strided.scatter [tilespmem:s15], [sflag:$0x4], $0x1000, s0, s26, $0x38;
	[tilespmem:$0x14600] =	vst v63  }
0xea: {  	s1 =	sadd.s32 s17, s1  }
0xeb: {  	[tilespmem:s3], [sflag:$0x5] =	stream.linear.gather [hbm4b:s1+s3], $0x300, $0x38;
	[tilespmem:$0x14600] =	vst v63  }
0xec: {  	_ =	swait.ge [sflag:s31], $0x300  }
0xed: {  	[sflag:s31] =	ssyncset.done $0x0  }
0xee: {  	s20 =	simm.s32 $0x600;
	[sflag:s31] =	ssyncadd.s32 $0xFFFFFD00  }
0xef: {  	[tilespmem:s20], [sflag:$0x1] =	stream.indirect.gather [hbm4b:s4+s0], $0x80, s3, s0, $0xb8;
	[tilespmem:$0x14600] =	vst v63  }
0xf0: {  	s24 =	simm.s32 $0x100  }
0xf1: {  	[tilespmem:s13], [sflag:$0x1] =	stream.indirect.gather [hbm4b:s5+s0], $0x10, s24, s0, $0xb8;
	[tilespmem:$0x14600] =	vst v63  }
0xf2: {  	s30 =	simm.s32 $0x200  }
0xf3: {  	[tilespmem:s16], [sflag:$0x1] =	stream.indirect.gather [hbm4b:s7+s0], $0x10, s30, s0, $0xb8;
	[tilespmem:$0x14600] =	vst v63  }
0xf4: {  	p0 =	sne.s32 s23, $0x30;
	s6 =	simm.s32 $0x4600  }
0xf5: {  	[tilespmem:s6], [sflag:$0x1] =	stream.indirect.gather [hbm4b:s4+s0], $0x80, s0, s0, $0xb8;
	[tilespmem:$0x14600] =	vst v63  }
.Ltmp4:
0xf6: {  	_ = 	snop;
	(pc) =	sbr.rel @p0 .LBB2_6-.Ltmp4, $4  }
0xf7: {  	s17 =	simm.s32 $0x180;
	s20 =	simm.s32 $0x10E00  }
0xf8: {  	[tilespmem:s20], [sflag:$0x1] =	stream.indirect.gather [hbm4b:s5+s0], $0x10, s17, s0, $0xb8;
	[tilespmem:$0x14600] =	vst v63  }
0xf9: {  	s24 =	simm.s32 $0x280;
	s30 =	simm.s32 $0x12E00  }
0xfa: {  	[tilespmem:s30], [sflag:$0x1] =	stream.indirect.gather [hbm4b:s7+s0], $0x10, s24, s0, $0xb8;
	[tilespmem:$0x14600] =	vst v63  }
0xfb: {  	_ =	swait.ge [sflag:s25], $0x4000  }
0xfc: {  	[sflag:s25] =	ssyncset.done $0x0  }
0xfd: {  	[sflag:s25] =	ssyncadd.s32 $0xFFFFC000  }
0xfe: {  	_ =	swait.ge [sflag:s25], $0x800  }
0xff: {  	[sflag:s25] =	ssyncset.done $0x0  }
0x100: {  	[sflag:s25] =	ssyncadd.s32 $0xFFFFF800  }
0x101: {  	_ =	swait.ge [sflag:s25], $0x800  }
0x102: {  	[sflag:s25] =	ssyncset.done $0x0  }
0x103: {  	[sflag:s25] =	ssyncadd.s32 $0xFFFFF800  }
0x104: {  	_ =	swait.ge [sflag:s25], $0x4000  }
0x105: {  	[sflag:s25] =	ssyncset.done $0x0  }
0x106: {  	[sflag:s25] =	ssyncadd.s32 $0xFFFFC000  }
0x107: {  	_ =	swait.ge [sflag:s25], $0x800  }
0x108: {  	[sflag:s25] =	ssyncset.done $0x0  }
0x109: {  	[sflag:s25] =	ssyncadd.s32 $0xFFFFF800  }
0x10a: {  	_ =	swait.ge [sflag:s25], $0x800  }
0x10b: {  	[sflag:s25] =	ssyncset.done $0x0  }
0x10c: {  	[sflag:s25] =	ssyncadd.s32 $0xFFFFF800  }
0x10d: {  	_ =	swait.ge [sflag:s21], $0x4000  }
0x10e: {  	[sflag:s21] =	ssyncset.done $0x0  }
0x10f: {  	[sflag:s21] =	ssyncadd.s32 $0xFFFFC000  }
0x110: {  	_ =	swait.ge [sflag:s21], $0x1000  }
0x111: {  	[sflag:s21] =	ssyncset.done $0x0  }
0x112: {  	[sflag:s21] =	ssyncadd.s32 $0xFFFFF000  }
0x113: {  	_ =	swait.ge [sflag:s21], $0x1000  }
0x114: {  	s20 =	simm.s32 $0x600;
	s1 =	simm.s32 $0x10;
	[sflag:s21] =	ssyncset.done $0x0  }
0x115: {  	s17 =	sadd.s32 $0x0, s22;
	s6 =	simm.s32 $0x680;
	[sflag:s21] =	ssyncadd.s32 $0xFFFFF000  }
.LBB2_12:
0x116: {  	[hbm4b:s17+s3] =	stream.linear.scatter [tilespmem:s20], [sflag:$0x3], $0x40, $0x38;
	[tilespmem:$0x14600] =	vst v63  }
0x117: {  	s17 =	smov.u32 s1;
	s20 =	smov.u32 s6;
	p0 =	sne.s32 s1, $0xFF0  }
.Ltmp5:
0x118: {  	s1 =	sadd.s32 $0x10, s1;
	(pc) =	sbr.rel @p0 .LBB2_12-.Ltmp5, $2  }
0x119: {  	_ =	sdelay $0x2  }
0x11a: {  	s6 =	sadd.s32 $0x80, s6;
	s17 =	sadd.s32 s17, s22  }
0x11b: {  	[hbm4b:s17+s3] =	stream.linear.scatter [tilespmem:s20], [sflag:$0x3], $0x40, $0x38;
	[tilespmem:$0x14600] =	vst v63  }
0x11c: {  	s1 =	rddreg [dreg:$0xc]  }
0x11d: {  	[hbm4b:s1+s26] =	stream.strided.scatter [tilespmem:s13], [sflag:$0x3], $0x1000, s0, s26, $0x38;
	[tilespmem:$0x14600] =	vst v63  }
0x11e: {  	s24 =	rddreg [dreg:$0xd]  }
0x11f: {  	[hbm4b:s24+s26] =	stream.strided.scatter [tilespmem:s16], [sflag:$0x3], $0x1000, s0, s26, $0x38;
	[tilespmem:$0x14600] =	vst v63  }
0x120: {  	s30 =	simm.s32 $0x0;
	s6 =	rddreg [dreg:$0xf]  }
0x121: {  	[tilespmem:s29], [sflag:$0x5] =	stream.linear.gather [hbm4b:s6+s30], $0x300, $0x38;
	[tilespmem:$0x14600] =	vst v63  }
0x122: {  	_ =	swait.ge [sflag:s31], $0x300  }
0x123: {  	[sflag:s31] =	ssyncset.done $0x0  }
0x124: {  	s23 =	simm.s32 $0x8600;
	[sflag:s31] =	ssyncadd.s32 $0xFFFFFD00  }
0x125: {  	[tilespmem:s23], [sflag:$0x2] =	stream.indirect.gather [hbm4b:s4+s0], $0x80, s29, s0, $0xb8;
	[tilespmem:$0x14600] =	vst v63  }
0x126: {  	s17 =	simm.s32 $0x400  }
0x127: {  	[tilespmem:s10], [sflag:$0x2] =	stream.indirect.gather [hbm4b:s5+s0], $0x10, s17, s0, $0xb8;
	[tilespmem:$0x14600] =	vst v63  }
0x128: {  	s20 =	simm.s32 $0x500  }
0x129: {  	[tilespmem:s15], [sflag:$0x2] =	stream.indirect.gather [hbm4b:s7+s0], $0x10, s20, s0, $0xb8;
	[tilespmem:$0x14600] =	vst v63  }
0x12a: {  	s24 =	simm.s32 $0x380;
	s30 =	simm.s32 $0xC600  }
0x12b: {  	[tilespmem:s30], [sflag:$0x2] =	stream.indirect.gather [hbm4b:s4+s0], $0x80, s24, s0, $0xb8;
	[tilespmem:$0x14600] =	vst v63  }
0x12c: {  	s17 =	simm.s32 $0x480;
	s20 =	simm.s32 $0x11E00  }
0x12d: {  	[tilespmem:s20], [sflag:$0x2] =	stream.indirect.gather [hbm4b:s5+s0], $0x10, s17, s0, $0xb8;
	[tilespmem:$0x14600] =	vst v63  }
0x12e: {  	s24 =	simm.s32 $0x580;
	s30 =	simm.s32 $0x13E00  }
0x12f: {  	[tilespmem:s30], [sflag:$0x2] =	stream.indirect.gather [hbm4b:s7+s0], $0x10, s24, s0, $0xb8;
	[tilespmem:$0x14600] =	vst v63  }
0x130: {  	_ =	swait.ge [sflag:s2], $0x4000  }
0x131: {  	[sflag:s2] =	ssyncset.done $0x0  }
0x132: {  	[sflag:s2] =	ssyncadd.s32 $0xFFFFC000  }
0x133: {  	_ =	swait.ge [sflag:s2], $0x800  }
0x134: {  	[sflag:s2] =	ssyncset.done $0x0  }
0x135: {  	[sflag:s2] =	ssyncadd.s32 $0xFFFFF800  }
0x136: {  	_ =	swait.ge [sflag:s2], $0x800  }
0x137: {  	[sflag:s2] =	ssyncset.done $0x0  }
0x138: {  	[sflag:s2] =	ssyncadd.s32 $0xFFFFF800  }
0x139: {  	_ =	swait.ge [sflag:s2], $0x4000  }
0x13a: {  	[sflag:s2] =	ssyncset.done $0x0  }
0x13b: {  	[sflag:s2] =	ssyncadd.s32 $0xFFFFC000  }
0x13c: {  	_ =	swait.ge [sflag:s2], $0x800  }
0x13d: {  	[sflag:s2] =	ssyncset.done $0x0  }
0x13e: {  	[sflag:s2] =	ssyncadd.s32 $0xFFFFF800  }
0x13f: {  	_ =	swait.ge [sflag:s2], $0x800  }
0x140: {  	[sflag:s2] =	ssyncset.done $0x0  }
0x141: {  	[sflag:s2] =	ssyncadd.s32 $0xFFFFF800  }
0x142: {  	_ =	swait.ge [sflag:s19], $0x4000  }
0x143: {  	[sflag:s19] =	ssyncset.done $0x0  }
0x144: {  	[sflag:s19] =	ssyncadd.s32 $0xFFFFC000  }
0x145: {  	_ =	swait.ge [sflag:s19], $0x1000  }
0x146: {  	[sflag:s19] =	ssyncset.done $0x0  }
0x147: {  	[sflag:s19] =	ssyncadd.s32 $0xFFFFF000  }
0x148: {  	_ =	swait.ge [sflag:s19], $0x1000  }
0x149: {  	s1 =	simm.s32 $0x10;
	[sflag:s19] =	ssyncset.done $0x0  }
0x14a: {  	s6 =	simm.s32 $0x8680;
	s17 =	sadd.s32 $0x0, s28;
	[sflag:s19] =	ssyncadd.s32 $0xFFFFF000  }
.LBB2_14:
0x14b: {  	[hbm4b:s17+s3] =	stream.linear.scatter [tilespmem:s23], [sflag:$0x4], $0x40, $0x38;
	[tilespmem:$0x14600] =	vst v63  }
0x14c: {  	s17 =	smov.u32 s1;
	s23 =	smov.u32 s6;
	p0 =	sne.s32 s1, $0xFF0  }
.Ltmp6:
0x14d: {  	s1 =	sadd.s32 $0x10, s1;
	(pc) =	sbr.rel @p0 .LBB2_14-.Ltmp6, $2  }
0x14e: {  	_ =	sdelay $0x2  }
0x14f: {  	s6 =	sadd.s32 $0x80, s6;
	s17 =	sadd.s32 s17, s28  }
0x150: {  	[hbm4b:s17+s3] =	stream.linear.scatter [tilespmem:s23], [sflag:$0x4], $0x40, $0x38;
	[tilespmem:$0x14600] =	vst v63  }
0x151: {  	s1 =	rddreg [dreg:$0x10]  }
0x152: {  	[hbm4b:s1+s26] =	stream.strided.scatter [tilespmem:s10], [sflag:$0x4], $0x1000, s0, s26, $0x38;
	[tilespmem:$0x14600] =	vst v63  }
0x153: {  	s24 =	rddreg [dreg:$0x11]  }
0x154: {  	[hbm4b:s24+s26] =	stream.strided.scatter [tilespmem:s15], [sflag:$0x4], $0x1000, s0, s26, $0x38;
	[tilespmem:$0x14600] =	vst v63  }
0x155: {  	_ =	swait.ge [sflag:s21], $0x4000  }
0x156: {  	[sflag:s21] =	ssyncset.done $0x0  }
0x157: {  	[sflag:s21] =	ssyncadd.s32 $0xFFFFC000  }
0x158: {  	_ =	swait.ge [sflag:s21], $0x1000  }
0x159: {  	[sflag:s21] =	ssyncset.done $0x0  }
0x15a: {  	[sflag:s21] =	ssyncadd.s32 $0xFFFFF000  }
0x15b: {  	_ =	swait.ge [sflag:s21], $0x1000  }
0x15c: {  	s6 =	rddreg [dreg:$0x12]  }
0x15d: {  	s30 =	rddreg [dreg:$0xe];
	s6 =	sadd.s32 $0x1, s6  }
0x15e: {  	p0 =	sne.s32 s6, s30  }
.Ltmp7:
0x15f: {  	_ = 	snop;
	(pc) =	sbr.rel @p0 .LBB2_1-.Ltmp7, $3  }
0x160: {  	_ =	sdelay $0x1  }
0x161: {  	[sflag:s21] =	ssyncset.done $0x0  }
0x162: {  	[sflag:s21] =	ssyncadd.s32 $0xFFFFF000  }
0x163: {  	_ =	sfence.sel $0x180000  }
0x164: {  	[bflag:$0x0] =	sbarrier.arrive $0xFFFF  }
0x165: {  	_ =	strace $0x90000047  }
0x166: {  	s0 =	stileid.u32;
	[bflag:$0x2] =	sbarrier.arrive $0xFFFF  }
0x167: {  	p0 =	sne.s32 s0, $0x0;
	s0 =	rddreg [dreg:$0x2]  }
0x168: {  	s0 =	sadd.s32 @!p0 $0x100000, s0  }
0x169: {  	[sflag:s0] =	ssyncadd.tile.s32 @!p0 $0x1;
	_ =	shalt  }
.Lfunc_end2:
_tile_overlayer_lowered:
.L_overlay_start_2:
0x16a: {  	(tag) =	ssettag $0x2  }
0x16b: {  	s0 =	rddreg [dreg:$0x0];
	s2 =	stileid.u32  }
0x16c: {  	s1 =	rddreg [dreg:$0x1];
	p0 =	sne.s32 s2, $0x0  }
0x16d: {  	s3 =	rddreg [dreg:$0x2];
	[bflag:$0x3] =	sbarrier.arrive $0xFFFF;
	s2 =	simm.s32 @!p0 $0x1C05  }
0x16e: {  	[timem:s3], [sflag:s2] =	dma.local @!p0 [hbm:s0], s1  }
0x16f: {  	s0 =	simm.s32 @!p0 $0x5  }
0x170: {  	_ =	swait.ge @!p0 [sflag:s0], s1  }
0x171: {  	s1 =	ssub.s32 @!p0 $0x0, s1;
	[sflag:s0] =	ssyncset.done @!p0 $0x0  }
0x172: {  	[sflag:s0] =	ssyncadd.s32 @!p0 s1  }
0x173: {  	[bflag:$0x3] =	sbarrier.arrive $0xFFFF  }
0x174: {  	_ =	shalt  }

// kernel: sparse-core-data-format-call.cloned.1.call-start
scs
called_computation_lowered:
.L_overlay_start_0:
0x0: {  	s2 =	sld [smem:$0x3FD9]  }
0x1: {  	s3 =	sld [smem:$0x3FFE];
	_ =	sdelay $0x1  }
0x2: {  	s1 =	srdreg.scid  }
0x3: {  	s0 =	sand.u32 $0x1, s1  }
0x4: {  	s18 =	sshll.u32 s0, $0xA;
	s2 =	sadd.s32 s3, s2  }
0x5: {  	s2 =	sadd.s32 s2, s18  }
0x6: {  	[smem:$0x3FC2] =	sst s2  }
0x7: {  	_ = 	snop  }
0x8: {  	s2 =	sld [smem:$0x3FD0];
	(tm) =	ssettm $0x1  }
0x9: {  	s19 =	sld [smem:$0x3FFB];
	_ =	sdelay $0x3  }
0xa: {  	_ =	strace s19  }
0xb: {  	s3 =	sld [smem:$0x3FFC];
	_ =	sdelay $0x3  }
0xc: {  	_ =	strace s3  }
0xd: {  	s3 =	sld [smem:$0x3FFD];
	_ =	sdelay $0x3  }
0xe: {  	_ =	strace s3  }
0xf: {  	_ =	strace $0x8FFFFFFF  }
0x10: {  	s20 =	sld [smem:$0x3FDB];
	_ =	sdelay $0x1  }
0x11: {  	s4 =	simm.s32 $_scs_section_size  }
0x12: {  	s5 =	simm.s32 $_size__tile_overlayer_lowered;
	s6 =	simm.s32 $_tile_overlayer_lowered  }
0x13: {  	s23 =	simm.s32 $0x1BFF;
	s22 =	sshll.u32 s6, $0x1;
	s3 =	sadd.s32 s4, s20  }
0x14: {  	s7 =	simm.s32 $0x0;
	s21 =	sshll.u32 s5, $0x1;
	s5 =	sadd.s32 s22, s3  }
0x15: {  	[timem:s7], [sflag:s23] =	dma.local [hbm:s5], s21  }
0x16: {  	_ =	swait.ge [sflag:s23], s21  }
0x17: {  	s4 =	ssub.s32 $0x0, s21;
	[sflag:s23] =	ssyncset.done $0x0  }
0x18: {  	[sflag:s23] =	ssyncadd.s32 s4;
	_ =	sdelay $0x1  }
0x19: {  	s24 =	simm.s32 $0x1B8B  }
0x1a: {  	_ =	swait.ge [sflag:s24], $0x1  }
0x1b: {  	[sflag:s24] =	ssyncset.done $0x0  }
0x1c: {  	s26 =	simm.s32 $0x1B8E;
	s25 =	sld [smem:$0x3FFE];
	[sflag:s24] =	ssyncadd.s32 $0xFFFFFFFF  }
0x1d: {  	s27 =	simm.s32 $execute0_lowered;
	[smem:$0x3FD2] =	sst s26  }
0x1e: {  	s5 =	sshll.u32 s27, $0x1;
	_ =	strace $0x80000049;
	[dreg:$0x1] =	wrdreg $0xFFFFFFFF  }
0x1f: {  	s28 =	simm.s32 $_size_execute0_lowered;
	s3 =	sadd.s32 s3, s5;
	[dreg:$0x0] =	wrdreg $0x0  }
0x20: {  	s5 =	sshll.u32 s28, $0x1;
	[dreg:$0x2] =	wrdreg s3  }
0x21: {  	[dreg:$0x3] =	wrdreg s5  }
0x22: {  	[dreg:$0x4] =	wrdreg $0xC0  }
0x23: {  	_ =	task [dreg:s7], $0x5FFFF  }
0x24: {  	[dreg:$0x1] =	wrdreg $0xFFFFFFFF  }
0x25: {  	[dreg:$0x0] =	wrdreg $0x60  }
0x26: {  	[dreg:$0x2] =	wrdreg s25  }
0x27: {  	[dreg:$0x3] =	wrdreg s2  }
0x28: {  	[dreg:$0x4] =	wrdreg $0x9  }
0x29: {  	_ =	task.clear_ibuf [dreg:s7], $0x5FFFF;
	_ =	strace $0x90000049  }
0x2a: {  	s29 =	simm.s32 $0x9;
	_ =	strace $0x8000004B  }
0x2b: {  	_ =	swait.ge [sflag:s29], $0x1  }
0x2c: {  	[sflag:s29] =	ssyncadd.s32 $0xFFFFFFFF  }
0x2d: {  	_ =	strace $0x9000004B  }
0x2e: {  	_ =	sfence  }
0x2f: {  	s30 =	sld [smem:$0x0];
	_ =	sdelay $0x2  }
0x30: {  	s31 =	sshll.u32 s1, $0xD;
	s1 =	sshrl.u32 s1, $0x2  }
0x31: {  	s3 =	sand.u32 $0x4000, s31;
	s1 =	sadd.s32 s1, s30  }
0x32: {  	s0 =	sor.u32 s3, s0;
	s1 =	sshll.u32 s1, $0x11  }
0x33: {  	s0 =	sor.u32 s1, s0  }
0x34: {  	s0 =	sadd.s32 $0x8F2B, s0  }
0x35: {  	[sflag:s0] =	ssyncadd.remote.s32 $0x1  }
0x36: {  	_ =	sfence.sel $0xFFFF  }
0x37: {  	[dreg:$0x0] =	wrdreg $0xFFFFFFFF;
	(pc) =	sbr.abs _section_cstart, $3  }
0x38: {  	[dreg:$0x1] =	wrdreg $0xFFFFFFFF  }
0x39: {  	_ =	task.clear_ibuf [dreg:s7], $0x2FFFF;
	_ =	strace $0x9FFFFFFF  }
0x3a: {  	(tm) =	ssettm $0x7FFFFFFF  }
0x3b: {  	_ =	shalt  }
tec
execute0_lowered:
.L_overlay_start_1:
0x0: {  	(tag) =	ssettag $0x1  }
0x1: {  	s0 =	srdreg.scid  }
0x2: {  	s1 =	sshll.u32 s0, $0x4  }
0x3: {  	s6 =	rddreg [dreg:$0x0];
	s0 =	stileid.u32;
	s1 =	sand.u32 $0x10, s1  }
0x4: {  	s3 =	rddreg [dreg:$0x1];
	s1 =	sor.u32 s0, s1  }
0x5: {  	s5 =	simm.s32 $0x1;
	s31 =	simm.s32 $0x2;
	s2 =	sshll.u32 s1, $0x7  }
0x6: {  	s15 =	simm.s32 $0x0;
	s8 =	simm.s32 $0x8000;
	s4 =	ssub.s32 $0x1000, s2  }
0x7: {  	s14 =	simm.s32 $0x0;
	s9 =	simm.s32 $0x0;
	s30 =	sand.u32 $0xF80, s4  }
0x8: {  	s10 =	simm.s32 $0x0;
	s11 =	simm.s32 $0x0;
	p0 =	sne.s32 s30, $0x0  }
.Ltmp0:
0x9: {  	s7 =	sshrl.u32 s4, $0xC;
	s5 =	simm.s32 @!p0 $0x0;
	(pc) =	sbr.rel .LBB1_1-.Ltmp0, $4  }
0xa: {  	s13 =	simm.s32 $0x0;
	s1 =	rddreg [dreg:$0x2];
	s5 =	sadd.s32 s5, s7  }
0xb: {  	_ =	strace $0x8000004A;
	s4 =	simm.s32 $0x1;
	s5 =	smul.u32 $0xC8, s5  }
0xc: {  	s6 =	sadd.s32 $0x1200, s6;
	s12 =	smov.u32 s2;
	[sflag:s4] =	ssyncpa.u1 $0x0  }
0xd: {  	[sflag:s31] =	ssyncpa.u1 $0x0;
	p0 =	por $0x0, $0x0;
	s7 =	sor.u32 $0x1, s5  }
.LBB1_4:
0xe: {  	s20 =	sshra.s32 s20, $0x2;
	s28 =	sshll.u32 s10, $0x3;
	p1 =	sgt.s32 s9, $0xC7  }
0xf: {  	s21 =	smov.u32 s9;
	s23 =	sshra.s32 s9, $0x1F;
	s24 =	smov.u32 s10  }
0x10: {  	v5 =	vld [tilespmem:s17+$0xFFFFFFD0];
	[tilespmem:s18+$0x2040 ss:$0x81] =	vst.msk $0xffff, v4;
	s25 =	sshra.s32 s10, $0x1F;
	s26 =	sand.u32 $0x78, s10;
	s19 =	sadd.s32 s20, s19  }
0x11: {  	v58 =	vld [tilespmem:s17+$0xFFFFFFE0];
	[tilespmem:s18+$0x2850 ss:$0x81] =	vst.msk $0xffff, v3;
	s22 =	sshrl.u32 s28, $0xC;
	s21 =	simm.s32 @!p1 $0xC7;
	s23 =	sand.u32 s23, s9  }
0x12: {  	v59 =	vld [tilespmem:s17+$0xFFFFFFF0];
	[tilespmem:s18+$0x3060 ss:$0x81] =	vst.msk $0xffff, v2;
	p1 =	sgt.s32 s10, $0xF80;
	s29 =	sand.u32 s25, s10;
	s20 =	sand.u32 $0xC00, s28  }
0x13: {  	v60 =	vld [tilespmem:s17+$0x0];
	[tilespmem:s18+$0x0 ss:$0x81] =	vst.msk $0xffff, v0;
	s28 =	smul.u32 $0xC000, s9;
	s21 =	ssub.s32 s21, s23;
	s24 =	simm.s32 @!p1 $0xF80  }
0x14: {  	v61 =	vld [tilespmem:s17+$0x10];
	s30 =	smulhi.u32 $0x2AAAAAB, s22;
	[tilespmem:s19+$0x3870 ss:$0x81] =	vst.msk $0xffff, v1;
	s20 =	sor.u32 s26, s20;
	s31 =	ssub.s32 $0xC8, s21  }
0x15: {  	v62 =	vld [tilespmem:s17+$0x20];
	s23 =	ssub.s32 s24, s29;
	s21 =	sadd.s32 $0xFFFFFF39, s21;
	s25 =	smul.u32 $0x60, s31;
	[tilespmem:s19+$0x810 ss:$0x81] =	vst.msk $0xffff, v5  }
0x16: {  	v63 =	vld [tilespmem:s17+$0xFFFFFFC0];
	s18 =	smul.u32 $0x60, s30;
	p1 =	sgt.s32 s21, $0x0;
	s27 =	sadd.s32 $0xFFFFF080, s23;
	[tilespmem:s19+$0x1020 ss:$0x81] =	vst.msk $0xffff, v58  }
0x17: {  	s17 =	ssub.s32 $0x1000, s23;
	[tilespmem:s19+$0x1830 ss:$0x81] =	vst.msk $0xffff, v59;
	s25 =	simm.s32 @p1 $0x0;
	p1 =	sgt.s32 s27, $0x7F  }
0x18: {  	s29 =	sand.u32 $0x7, s10;
	[tilespmem:s19+$0x2040 ss:$0x81] =	vst.msk $0xffff, v60;
	s18 =	ssub.s32 s22, s18;
	s17 =	simm.s32 @p1 $0x0  }
0x19: {  	s21 =	sadd.s32 s3, s28;
	[tilespmem:s19+$0x2850 ss:$0x81] =	vst.msk $0xffff, v61;
	s18 =	sshll.u32 s18, $0x9;
	s17 =	smul.u32 s17, s25  }
0x1a: {  	s20 =	sshrl.u32 s20, $0x3;
	s30 =	sshll.u32 s29, $0x12;
	[tilespmem:s19+$0x3060 ss:$0x81] =	vst.msk $0xffff, v62;
	s18 =	sadd.s32 s18, s21  }
0x1b: {  	[tilespmem:s19+$0x0 ss:$0x81] =	vst.msk $0xffff, v63;
	s31 =	sor.u32 $0x400, s30;
	s18 =	sadd.s32 s20, s18;
	s17 =	sand.u32 $0x3FFFFFE0, s17  }
0x1c: {  	[hbm4b:s18+s31] =	stream.strided.scatter [tilespmem:s16], [sflag:$0x2], s17, s8, s31, $0x20;
	[tilespmem:$0x10100] =	vst v63  }
.LBB1_5:
0x1d: {  	p1 =	slt.u32 s13, $0x2  }
0x1e: {  	s17 =	smov.u32 s15;
	p2 =	sgt.s32 @!p1 s15, $0xC7;
	s16 =	sshra.s32 @!p1 s15, $0x1F  }
0x1f: {  	p3 =	sgt.s32 @!p1 s14, $0xF80;
	s18 =	sshra.s32 @!p1 s14, $0x1F;
	p2 =	por !p2, p1  }
0x20: {  	s15 =	sand.u32 @!p1 s16, s15;
	p3 =	por !p3, p1;
	s16 =	smov.u32 s14  }
0x21: {  	s14 =	sand.u32 @!p1 s18, s14;
	s17 =	simm.s32 @p2 $0xC7;
	s16 =	simm.s32 @p3 $0xF80  }
0x22: {  	s18 =	smov.u32 s12;
	s15 =	ssub.s32 @!p1 s17, s15;
	s14 =	ssub.s32 @!p1 s16, s14  }
0x23: {  	s16 =	sadd.s32 @!p1 $0xFFFFFF39, s15;
	s15 =	ssub.s32 @!p1 $0xC8, s15;
	s17 =	sadd.s32 @!p1 $0xFFFFF080, s14  }
0x24: {  	p2 =	sgt.s32 @!p1 s16, $0x0;
	s15 =	smul.u32 @!p1 $0x60, s15;
	p3 =	sgt.s32 @!p1 s17, $0x7F  }
0x25: {  	s14 =	ssub.s32 @!p1 $0x1000, s14;
	p2 =	por !p2, p1;
	p3 =	por !p3, p1  }
0x26: {  	s16 =	sadd.s32 $0x1, s11;
	s15 =	simm.s32 @!p2 $0x0;
	s14 =	simm.s32 @!p3 $0x0  }
0x27: {  	p2 =	sgt.s32 s16, $0xC7;
	s14 =	smul.u32 @!p1 s14, s15;
	s15 =	sadd.s32 $0x1000, s12  }
0x28: {  	s18 =	smov.u32 @p2 s15  }
0x29: {  	s16 =	simm.s32 @p2 $0x0;
	p2 =	sgt.s32 s18, $0xFFF  }
0x2a: {  	s18 =	smov.u32 @p2 s2;
	p2 =	sne.s32 s13, s7  }
.Ltmp1:
0x2b: {  	p0 =	por !p0, !p0;
	s17 =	simm.s32 @!p1 $0x2;
	(pc) =	sbr.rel @!p2 .LBB1_6-.Ltmp1, $4  }
0x2c: {  	s15 =	smov.u32 s9;
	s9 =	smov.u32 s11;
	s14 =	sand.u32 @!p1 $0x3FFFFFE0, s14  }
0x2d: {  	s11 =	smov.u32 s16;
	_ =	swait.ge @!p1 [sflag:s17], s14;
	s19 =	ssub.s32 @!p1 $0x0, s14  }
0x2e: {  	s14 =	smov.u32 s10;
	s13 =	sadd.s32 $0x1, s13;
	[sflag:s17] =	ssyncset.done @!p1 $0x0  }
0x2f: {  	s10 =	smov.u32 s12;
	s12 =	smov.u32 s18;
	[sflag:s17] =	ssyncadd.s32 @!p1 s19  }
.LBB1_1:
0x30: {  	p1 =	sge.u32 s13, s5  }
0x31: {  	s16 =	sand.u32 @!p1 $0x1FFFFFF, s11  }
0x32: {  	s17 =	smulhi.u32 @!p1 $0x147AE15, s16;
	_ =	sdelay $0x1  }
0x33: {  	s17 =	smul.u32 @!p1 $0xC8, s17  }
0x34: {  	s18 =	sxor.u32 @!p1 $0xFFFFFFFF, s13;
	s19 =	smul.u32 @!p1 $0xC80, s12  }
0x35: {  	s31 =	sadd.s32 $0xFFFFFFFF, s13;
	s18 =	sshll.u32 @!p1 s18, $0xE;
	s16 =	ssub.s32 @!p1 s16, s17  }
0x36: {  	s17 =	sand.u32 @!p1 $0x4000, s18;
	s18 =	sadd.s32 @!p1 s6, s19;
	s16 =	sshll.u32 @!p1 s16, $0x4  }
0x37: {  	s19 =	simm.s32 @!p1 $0x6400;
	s16 =	sadd.s32 @!p1 s16, s18;
	s18 =	simm.s32 @!p1 $0x80  }
0x38: {  	[tilespmem:s17], [sflag:$0x1] =	stream.strided.gather @!p1 [hbm4b:s16+s18], $0x4000, s19, s18, $0x38;
	[tilespmem:$0x10100] =	vst v63  }
0x39: {  	p1 =	sge.u32 s31, s5  }
.Ltmp2:
0x3a: {  	_ = 	snop;
	(pc) =	sbr.rel @p1 .LBB1_5-.Ltmp2, $1  }
0x3b: {  	_ =	sdelay $0x3  }
0x3c: {  	s16 =	simm.s32 $0x1  }
0x3d: {  	_ =	swait.ge [sflag:s4], $0x4000;
	s16 =	simm.s32 @!p0 $0x0  }
0x3e: {  	[sflag:s4] =	ssyncset.done $0x0;
	s17 =	sshll.u32 s16, $0xE  }
0x3f: {  	[sflag:s4] =	ssyncadd.s32 $0xFFFFC000;
	s17 =	sor.u32 $0x40, s17  }
0x40: {  	s16 =	smul.u32 $0x10200, s16;
	v0 =	vld [tilespmem:s17+$0x30]  }
0x41: {  	v1 =	vld [tilespmem:s17+$0xFFFFFFD0]  }
0x42: {  	s16 =	sshrl.u32 s16, $0x2;
	v5 =	vld [tilespmem:s17+$0xFFFFFFE0]  }
0x43: {  	v6 =	vld [tilespmem:s17+$0xFFFFFFF0];
	s19 =	sor.u32 $0x8000, s16  }
0x44: {  	s31 =	sand.u32 $0x1, s13;
	v4 =	vld [tilespmem:s17+$0x0];
	s18 =	sadd.s32 $0x0, s19  }
0x45: {  	v3 =	vld [tilespmem:s17+$0x10];
	s16 =	smul.u32 $0x10200, s31;
	[tilespmem:s18+$0x3870 ss:$0x81] =	vst.msk $0xffff, v0  }
0x46: {  	v2 =	vld [tilespmem:s17+$0x20];
	[tilespmem:s18+$0x810 ss:$0x81] =	vst.msk $0xffff, v1  }
0x47: {  	s16 =	sshrl.u32 s16, $0x2;
	v0 =	vld [tilespmem:s17+$0xFFFFFFC0];
	[tilespmem:s18+$0x1020 ss:$0x81] =	vst.msk $0xffff, v5;
	s17 =	sadd.s32 $0x80, s17  }
0x48: {  	s20 =	simm.s32 $0x4;
	s21 =	simm.s32 $0x8;
	s16 =	sor.u32 $0x8000, s16;
	[tilespmem:s18+$0x1830 ss:$0x81] =	vst.msk $0xffff, v6;
	v1 =	vld [tilespmem:s17+$0x30]  }
.LBB1_3:
0x49: {  	p1 =	sne.s32 s21, $0x1FC;
	v5 =	vld [tilespmem:s17+$0xFFFFFFD0];
	[tilespmem:s18+$0x2040 ss:$0x81] =	vst.msk $0xffff, v4  }
0x4a: {  	v6 =	vld [tilespmem:s17+$0xFFFFFFE0];
	[tilespmem:s18+$0x2850 ss:$0x81] =	vst.msk $0xffff, v3  }
0x4b: {  	s22 =	sshra.s32 s20, $0x2;
	s20 =	smov.u32 s21;
	v7 =	vld [tilespmem:s17+$0xFFFFFFF0];
	[tilespmem:s18+$0x3060 ss:$0x81] =	vst.msk $0xffff, v2  }
.Ltmp3:
0x4c: {  	v4 =	vld [tilespmem:s17+$0x0];
	[tilespmem:s18+$0x0 ss:$0x81] =	vst.msk $0xffff, v0;
	s18 =	sadd.s32 s22, s19;
	(pc) =	sbr.rel @p1 .LBB1_3-.Ltmp3, $4  }
0x4d: {  	v3 =	vld [tilespmem:s17+$0x10];
	[tilespmem:s18+$0x3870 ss:$0x81] =	vst.msk $0xffff, v1  }
0x4e: {  	[tilespmem:s18+$0x810 ss:$0x81] =	vst.msk $0xffff, v5;
	v2 =	vld [tilespmem:s17+$0x20]  }
0x4f: {  	v0 =	vld [tilespmem:s17+$0xFFFFFFC0];
	[tilespmem:s18+$0x1020 ss:$0x81] =	vst.msk $0xffff, v6;
	s17 =	sadd.s32 $0x80, s17  }
0x50: {  	s21 =	sadd.s32 $0x4, s21;
	v1 =	vld [tilespmem:s17+$0x30];
	[tilespmem:s18+$0x1830 ss:$0x81] =	vst.msk $0xffff, v7  }
.Ltmp4:
0x51: {  	_ = 	snop;
	(pc) =	sbr.rel .LBB1_4-.Ltmp4, $1  }
0x52: {  	_ =	sdelay $0x3  }
.LBB1_6:
0x53: {  	_ =	sfence.sel $0x180000  }
0x54: {  	s2 =	simm.s32 $0x1;
	[bflag:$0x0] =	sbarrier.arrive $0xFFFF  }
0x55: {  	s31 =	simm.s32 $0x2;
	[sflag:s2] =	ssyncpa.u1 $0x1  }
0x56: {  	[sflag:s31] =	ssyncpa.u1 $0x1  }
0x57: {  	p0 =	sne.s32 s0, $0x0;
	_ =	strace $0x9000004A  }
0x58: {  	s0 =	sadd.s32 @!p0 $0x100000, s1;
	[bflag:$0x2] =	sbarrier.arrive $0xFFFF  }
0x59: {  	[sflag:s0] =	ssyncadd.tile.s32 @!p0 $0x1;
	_ =	shalt  }
.Lfunc_end1:
_tile_overlayer_lowered:
.L_overlay_start_2:
0x5a: {  	(tag) =	ssettag $0x2  }
0x5b: {  	s0 =	rddreg [dreg:$0x0];
	s2 =	stileid.u32  }
0x5c: {  	s1 =	rddreg [dreg:$0x1];
	p0 =	sne.s32 s2, $0x0  }
0x5d: {  	s3 =	rddreg [dreg:$0x2];
	[bflag:$0x3] =	sbarrier.arrive $0xFFFF;
	s2 =	simm.s32 @!p0 $0x1C01  }
0x5e: {  	[timem:s3], [sflag:s2] =	dma.local @!p0 [hbm:s0], s1  }
0x5f: {  	s0 =	simm.s32 @!p0 $0x1  }
0x60: {  	_ =	swait.ge @!p0 [sflag:s0], s1  }
0x61: {  	s1 =	ssub.s32 @!p0 $0x0, s1;
	[sflag:s0] =	ssyncset.done @!p0 $0x0  }
0x62: {  	[sflag:s0] =	ssyncadd.s32 @!p0 s1  }
0x63: {  	[bflag:$0x3] =	sbarrier.arrive $0xFFFF  }
0x64: {  	_ =	shalt  }

</sc_bundles>
